<compile_context>
chip_gen: v7x
topology: tpu7x:2x2x1
jax: 0.10.2.dev20260603
libtpu: 0.0.44.dev20260713+nightly
codegen_flags: <defaults>
</compile_context>

<pallas_src>
import functools

import jax
import jax.numpy as jnp
from jax import lax
from jax.experimental import pallas as pl
from jax.experimental.pallas import tpu as pltpu
from jax.experimental.pallas import tpu_sc as plsc

VOCAB = 100000
D_MODEL = 1024
SCALE = 32.0

_INFO = plsc.get_sparse_core_info()
_NC, _NS, _L = _INFO.num_cores, _INFO.num_subcores, _INFO.num_lanes
_NW = _NC * _NS
_NBUF = 4
_LA = 2


def _make_kernel(R, C, D, chunk):
    B = R * C
    assert B % _NW == 0
    b_per_w = B // _NW
    assert C % b_per_w == 0
    w_per_row = C // b_per_w
    assert b_per_w % chunk == 0
    n_chunks = b_per_w // chunk
    assert n_chunks % _NBUF == 0
    n_groups = n_chunks // _NBUF
    slices_per_chunk = chunk * (D // _L)
    cols = D // _L
    col_shift = cols.bit_length() - 1
    mesh = plsc.VectorSubcoreMesh(core_axis_name="c", subcore_axis_name="s")

    @functools.partial(
        pl.kernel,
        mesh=mesh,
        out_type=jax.ShapeDtypeStruct((B, D), jnp.float32),
        scratch_types=[
            pltpu.VMEM((b_per_w,), jnp.int32),
            *[pltpu.VMEM((chunk, D), jnp.float32) for _ in range(_NBUF)],
            *[pltpu.SemaphoreType.DMA for _ in range(2 * _NBUF)],
        ],
    )
    def k(table_hbm, x_hbm, out_hbm, idx_v, *bufs_sems):
        bufs = bufs_sems[:_NBUF]
        gsems = bufs_sems[_NBUF : 2 * _NBUF]
        wsems = bufs_sems[2 * _NBUF :]
        wid = lax.axis_index("s") * _NC + lax.axis_index("c")
        base = wid * b_per_w
        xr = wid // w_per_row
        xc = (wid % w_per_row) * b_per_w

        def gather(c, b):
            return pltpu.async_copy(
                table_hbm.at[idx_v.at[pl.ds(pl.multiple_of(c * chunk, chunk), chunk)]],
                bufs[b],
                gsems[b],
            )

        def wait_write(b):
            pltpu.make_async_copy(
                out_hbm.at[pl.ds(base, chunk)], bufs[b], wsems[b]
            ).wait()

        def scale(buf):
            @plsc.parallel_loop(0, slices_per_chunk, unroll=8)
            def _(i):
                r = i >> col_shift
                c = (i & (cols - 1)) * _L
                buf[r, pl.ds(c, _L)] = buf[r, pl.ds(c, _L)] * SCALE

        pltpu.sync_copy(x_hbm.at[xr, pl.ds(xc, b_per_w)], idx_v)
        for c in range(_LA):
            gather(c, c)

        def group_body(go, _):
            c0 = go * _NBUF
            for j in range(_NBUF):
                c = c0 + j
                fb = (j + _LA) % _NBUF

                @pl.when(c >= _NBUF - _LA)
                def _():
                    wait_write(fb)

                @pl.when(c + _LA < n_chunks)
                def _():
                    gather(c + _LA, fb)

                pltpu.make_async_copy(
                    out_hbm.at[pl.ds(base, chunk)], bufs[j], gsems[j]
                ).wait()
                scale(bufs[j])
                pltpu.async_copy(
                    bufs[j],
                    out_hbm.at[pl.ds(pl.multiple_of(base + c * chunk, chunk), chunk)],
                    wsems[j],
                )
            return ()

        lax.fori_loop(0, n_groups, group_body, ())
        for c in range(n_chunks - _LA, n_chunks):
            wait_write(c % _NBUF)

    return k


@jax.jit
def kernel(x, table):
    R, C = x.shape
    out = _make_kernel(R, C, D_MODEL, 16)(table, x.astype(jnp.int32))
    return out.reshape(R, C, D_MODEL)

# --- scband reference (transcript-rebuilt; emitter-appended) ---
"""Pipeline reference for scband-embeddings-81114752352547 (READ-ONLY COPY).

The authoritative reference and input builder live on the scoring server;
editing this copy changes nothing except your own understanding.
"""

import jax, jax.numpy as jnp
import numpy as np

VOCAB = 100000
D_MODEL = 1024

def setup_inputs(seed: int = 0) -> dict:
    key = jax.random.key(seed)
    k_idx, k_tab = jax.random.split(key)
    x = jax.random.randint(k_idx, (4, 4096), 0, VOCAB, dtype=jnp.int64 if jax.config.jax_enable_x64 else jnp.int32)
    table = jax.random.normal(k_tab, (VOCAB, D_MODEL), dtype=jnp.float32)
    return {"x": x, "table": table}

def reference(x, table):
    # Embeddings.forward: embedding(x) * sqrt(d_model)
    emb = jnp.take(table, x, axis=0)
    return emb * np.float32(np.sqrt(D_MODEL))

if __name__ == "__main__":
    import jax
    _d = setup_inputs()
    print(jax.jit(kernel)(*tuple(_d.values())))

</pallas_src>

<mosaic_0001>
#map = affine_map<(d0, d1) -> (0, 0)>
module attributes {stable_mosaic.version = 14 : i64} {
  func.func @k(%arg0: i32, %arg1: i32, %arg2: memref<100000x1024xf32, #tpu.memory_space<hbm>>, %arg3: memref<4x4096xi32, #tpu.memory_space<hbm>>, %arg4: memref<16384x1024xf32, #tpu.memory_space<hbm>>, %arg5: memref<512xi32, #tpu.memory_space<vmem>>, %arg6: memref<16x1024xf32, #tpu.memory_space<vmem>>, %arg7: memref<16x1024xf32, #tpu.memory_space<vmem>>, %arg8: memref<16x1024xf32, #tpu.memory_space<vmem>>, %arg9: memref<16x1024xf32, #tpu.memory_space<vmem>>, %arg10: memref<!tpu.dma_semaphore, #tpu.memory_space<semaphore_mem>>, %arg11: memref<!tpu.dma_semaphore, #tpu.memory_space<semaphore_mem>>, %arg12: memref<!tpu.dma_semaphore, #tpu.memory_space<semaphore_mem>>, %arg13: memref<!tpu.dma_semaphore, #tpu.memory_space<semaphore_mem>>, %arg14: memref<!tpu.dma_semaphore, #tpu.memory_space<semaphore_mem>>, %arg15: memref<!tpu.dma_semaphore, #tpu.memory_space<semaphore_mem>>, %arg16: memref<!tpu.dma_semaphore, #tpu.memory_space<semaphore_mem>>, %arg17: memref<!tpu.dma_semaphore, #tpu.memory_space<semaphore_mem>>) attributes {dimension_semantics = [#tpu.dimension_semantics<core_parallel>, #tpu.dimension_semantics<subcore_parallel>], iteration_bounds = array<i64: 2, 16>, scalar_prefetch = 0 : i64, scratch_operands = 13 : i64, tpu.core_type = #tpu.core_type<sc_vector_subcore>, window_params = [{transform_indices = #map}, {transform_indices = #map}, {transform_indices = #map}]} {
    %mul3A = arith.constant 2 : i32
    %mul3A_0 = arith.muli %arg1, %mul3A : i32
    %add3A = arith.addi %mul3A_0, %arg0 : i32
    %mul3A_1 = arith.constant 512 : i32
    %mul3A_2 = arith.muli %add3A, %mul3A_1 : i32
    %jit3A = arith.constant 8 : i32
    %div3A = arith.divsi %add3A, %jit3A : i32
    %sign3A = arith.constant 0 : i32
    %sign3A_3 = arith.cmpi sgt, %add3A, %sign3A : i32
    %sign3A_4 = arith.extui %sign3A_3 : i1 to i32
    %sign3A_5 = arith.constant 0 : i32
    %sign3A_6 = arith.cmpi slt, %add3A, %sign3A_5 : i32
    %sign3A_7 = arith.extui %sign3A_6 : i1 to i32
    %sign3A_8 = arith.subi %sign3A_4, %sign3A_7 : i32
    %sign3A_9 = arith.constant 0 : i32
    %sign3A_10 = arith.cmpi sgt, %jit3A, %sign3A_9 : i32
    %sign3A_11 = arith.extui %sign3A_10 : i1 to i32
    %sign3A_12 = arith.constant 0 : i32
    %sign3A_13 = arith.cmpi slt, %jit3A, %sign3A_12 : i32
    %sign3A_14 = arith.extui %sign3A_13 : i1 to i32
    %sign3A_15 = arith.subi %sign3A_11, %sign3A_14 : i32
    %ne3A = arith.cmpi ne, %sign3A_8, %sign3A_15 : i32
    %rem3A = arith.remsi %add3A, %jit3A : i32
    %ne3A_16 = arith.constant 0 : i32
    %ne3A_17 = arith.cmpi ne, %rem3A, %ne3A_16 : i32
    %and3A = arith.andi %ne3A, %ne3A_17 : i1
    %sub3A = arith.constant 1 : i32
    %sub3A_18 = arith.subi %div3A, %sub3A : i32
    %select_n3A = arith.select %and3A, %sub3A_18, %div3A : i32
    %jit3A_19 = arith.constant 8 : i32
    %eq3A = arith.constant 0 : i32
    %eq3A_20 = arith.cmpi eq, %jit3A_19, %eq3A : i32
    %jit3A_21 = arith.constant 1 : i32
    %select_n3A_22 = arith.select %eq3A_20, %jit3A_21, %jit3A_19 : i32
    %rem3A_23 = arith.remsi %add3A, %select_n3A_22 : i32
    %ne3A_24 = arith.constant 0 : i32
    %ne3A_25 = arith.cmpi ne, %rem3A_23, %ne3A_24 : i32
    %lt3A = arith.constant 0 : i32
    %lt3A_26 = arith.cmpi slt, %rem3A_23, %lt3A : i32
    %lt3A_27 = arith.constant 0 : i32
    %lt3A_28 = arith.cmpi slt, %select_n3A_22, %lt3A_27 : i32
    %ne3A_29 = arith.xori %lt3A_26, %lt3A_28 : i1
    %and3A_30 = arith.andi %ne3A_29, %ne3A_25 : i1
    %add3A_31 = arith.addi %rem3A_23, %select_n3A_22 : i32
    %select_n3A_32 = arith.select %and3A_30, %add3A_31, %rem3A_23 : i32
    %mul3A_33 = arith.constant 512 : i32
    %mul3A_34 = arith.muli %select_n3A_32, %mul3A_33 : i32
    "tpu.region"() ({
      %run_scoped3A = tpu.sem_alloc : memref<!tpu.dma_semaphore, #tpu.memory_space<semaphore_mem>>
      %dma_start3A_56 = tpu.memref_slice %arg3[%select_n3A, %mul3A_34] : memref<4x4096xi32, #tpu.memory_space<hbm>> -> memref<1x512xi32, #tpu.memory_space<hbm>>
      %dma_start3A_57 = tpu.memref_squeeze %dma_start3A_56 : memref<1x512xi32, #tpu.memory_space<hbm>> -> memref<512xi32, #tpu.memory_space<hbm>>
      %dma_start3A_58 = tpu.memref_slice %arg3[%select_n3A, %mul3A_34] : memref<4x4096xi32, #tpu.memory_space<hbm>> -> memref<1x512xi32, #tpu.memory_space<hbm>>
      %dma_start3A_59 = tpu.memref_squeeze %dma_start3A_58 : memref<1x512xi32, #tpu.memory_space<hbm>> -> memref<512xi32, #tpu.memory_space<hbm>>
      tpu.enqueue_dma source(%dma_start3A_59 : memref<512xi32, #tpu.memory_space<hbm>>) target(%arg5 : memref<512xi32, #tpu.memory_space<vmem>>) target_semaphore(%run_scoped3A : memref<!tpu.dma_semaphore, #tpu.memory_space<semaphore_mem>>)
      %dma_wait3A_60 = tpu.memref_slice %arg3[%select_n3A, %mul3A_34] : memref<4x4096xi32, #tpu.memory_space<hbm>> -> memref<1x512xi32, #tpu.memory_space<hbm>>
      %dma_wait3A_61 = tpu.memref_squeeze %dma_wait3A_60 : memref<1x512xi32, #tpu.memory_space<hbm>> -> memref<512xi32, #tpu.memory_space<hbm>>
      %dma_wait3A_62 = tpu.memref_slice %arg3[%select_n3A, %mul3A_34] : memref<4x4096xi32, #tpu.memory_space<hbm>> -> memref<1x512xi32, #tpu.memory_space<hbm>>
      %dma_wait3A_63 = tpu.memref_squeeze %dma_wait3A_62 : memref<1x512xi32, #tpu.memory_space<hbm>> -> memref<512xi32, #tpu.memory_space<hbm>>
      tpu.wait_dma2 semaphore(%run_scoped3A : memref<!tpu.dma_semaphore, #tpu.memory_space<semaphore_mem>>) src(%dma_wait3A_63 : memref<512xi32, #tpu.memory_space<hbm>>) dst(%arg5 : memref<512xi32, #tpu.memory_space<vmem>>)
      tpu.yield
    }) : () -> ()
    %multiple_of3A = arith.constant 0 : i32
    %multiple_of3A_35 = tpu.assume_multiple %multiple_of3A, 16 : i32
    %dma_start3A = tpu.memref_slice %arg5[%multiple_of3A_35] : memref<512xi32, #tpu.memory_space<vmem>> -> memref<16xi32, #tpu.memory_space<vmem>>
    %dma_start3A_36 = arith.constant 0 : i32
    %dma_start3A_37 = arith.constant 0 : i32
    %dma_start3A_38 = tpu.memref_slice %arg2[%dma_start3A_36, %dma_start3A_37] : memref<100000x1024xf32, #tpu.memory_space<hbm>> -> memref<100000x1024xf32, #tpu.memory_space<hbm>>
    tpu.enqueue_indirect_dma source(%dma_start3A_38 : memref<100000x1024xf32, #tpu.memory_space<hbm>>) target(%arg6 : memref<16x1024xf32, #tpu.memory_space<vmem>>) offsets(%dma_start3A : memref<16xi32, #tpu.memory_space<vmem>>) semaphore(%arg10 : memref<!tpu.dma_semaphore, #tpu.memory_space<semaphore_mem>>)
    %multiple_of3A_39 = arith.constant 16 : i32
    %multiple_of3A_40 = tpu.assume_multiple %multiple_of3A_39, 16 : i32
    %dma_start3A_41 = tpu.memref_slice %arg5[%multiple_of3A_40] : memref<512xi32, #tpu.memory_space<vmem>> -> memref<16xi32, #tpu.memory_space<vmem>>
    %dma_start3A_42 = arith.constant 0 : i32
    %dma_start3A_43 = arith.constant 0 : i32
    %dma_start3A_44 = tpu.memref_slice %arg2[%dma_start3A_42, %dma_start3A_43] : memref<100000x1024xf32, #tpu.memory_space<hbm>> -> memref<100000x1024xf32, #tpu.memory_space<hbm>>
    tpu.enqueue_indirect_dma source(%dma_start3A_44 : memref<100000x1024xf32, #tpu.memory_space<hbm>>) target(%arg7 : memref<16x1024xf32, #tpu.memory_space<vmem>>) offsets(%dma_start3A_41 : memref<16xi32, #tpu.memory_space<vmem>>) semaphore(%arg11 : memref<!tpu.dma_semaphore, #tpu.memory_space<semaphore_mem>>)
    %scan3A = arith.constant 0 : i32
    %scan3A_45 = arith.constant 8 : i32
    %scan3A_46 = arith.addi %scan3A, %scan3A_45 : i32
    %scan3A_47 = arith.constant 1 : i32
    scf.for %scan3A_56 = %scan3A to %scan3A_46 step %scan3A_47  : i32 {
      %mul3A_57 = arith.constant 4 : i32
      %mul3A_58 = arith.muli %scan3A_56, %mul3A_57 : i32
      %add3A_59 = arith.constant 0 : i32
      %add3A_60 = arith.addi %mul3A_58, %add3A_59 : i32
      %ge3A = arith.constant 2 : i32
      %ge3A_61 = arith.cmpi sge, %add3A_60, %ge3A : i32
      %convert_element_type3A = arith.extui %ge3A_61 : i1 to i32
      %cond3A = arith.constant 0 : i32
      %cond3A_62 = arith.cmpi ne, %convert_element_type3A, %cond3A : i32
      scf.if %cond3A_62 {
        %dma_wait3A_171 = arith.constant 0 : i32
        %dma_wait3A_172 = tpu.memref_slice %arg4[%mul3A_2, %dma_wait3A_171] : memref<16384x1024xf32, #tpu.memory_space<hbm>> -> memref<16x1024xf32, #tpu.memory_space<hbm>>
        %dma_wait3A_173 = arith.constant 0 : i32
        %dma_wait3A_174 = tpu.memref_slice %arg4[%mul3A_2, %dma_wait3A_173] : memref<16384x1024xf32, #tpu.memory_space<hbm>> -> memref<16x1024xf32, #tpu.memory_space<hbm>>
        tpu.wait_dma2 semaphore(%arg16 : memref<!tpu.dma_semaphore, #tpu.memory_space<semaphore_mem>>) src(%dma_wait3A_174 : memref<16x1024xf32, #tpu.memory_space<hbm>>) dst(%arg8 : memref<16x1024xf32, #tpu.memory_space<vmem>>)
      } else {
      }
      %add3A_63 = arith.constant 2 : i32
      %add3A_64 = arith.addi %add3A_60, %add3A_63 : i32
      %lt3A_65 = arith.constant 32 : i32
      %lt3A_66 = arith.cmpi slt, %add3A_64, %lt3A_65 : i32
      %convert_element_type3A_67 = arith.extui %lt3A_66 : i1 to i32
      %cond3A_68 = arith.constant 0 : i32
      %cond3A_69 = arith.cmpi ne, %convert_element_type3A_67, %cond3A_68 : i32
      scf.if %cond3A_69 {
        %add3A_171 = arith.constant 2 : i32
        %add3A_172 = arith.addi %add3A_60, %add3A_171 : i32
        %mul3A_173 = arith.constant 16 : i32
        %mul3A_174 = arith.muli %add3A_172, %mul3A_173 : i32
        %multiple_of3A_175 = tpu.assume_multiple %mul3A_174, 16 : i32
        %dma_start3A_176 = tpu.memref_slice %arg5[%multiple_of3A_175] : memref<512xi32, #tpu.memory_space<vmem>> -> memref<16xi32, #tpu.memory_space<vmem>>
        %dma_start3A_177 = arith.constant 0 : i32
        %dma_start3A_178 = arith.constant 0 : i32
        %dma_start3A_179 = tpu.memref_slice %arg2[%dma_start3A_177, %dma_start3A_178] : memref<100000x1024xf32, #tpu.memory_space<hbm>> -> memref<100000x1024xf32, #tpu.memory_space<hbm>>
        tpu.enqueue_indirect_dma source(%dma_start3A_179 : memref<100000x1024xf32, #tpu.memory_space<hbm>>) target(%arg8 : memref<16x1024xf32, #tpu.memory_space<vmem>>) offsets(%dma_start3A_176 : memref<16xi32, #tpu.memory_space<vmem>>) semaphore(%arg12 : memref<!tpu.dma_semaphore, #tpu.memory_space<semaphore_mem>>)
      } else {
      }
      %dma_wait3A_70 = arith.constant 0 : i32
      %dma_wait3A_71 = tpu.memref_slice %arg4[%mul3A_2, %dma_wait3A_70] : memref<16384x1024xf32, #tpu.memory_space<hbm>> -> memref<16x1024xf32, #tpu.memory_space<hbm>>
      %dma_wait3A_72 = arith.constant 0 : i32
      %dma_wait3A_73 = tpu.memref_slice %arg4[%mul3A_2, %dma_wait3A_72] : memref<16384x1024xf32, #tpu.memory_space<hbm>> -> memref<16x1024xf32, #tpu.memory_space<hbm>>
      tpu.wait_dma2 semaphore(%arg10 : memref<!tpu.dma_semaphore, #tpu.memory_space<semaphore_mem>>) src(%dma_wait3A_73 : memref<16x1024xf32, #tpu.memory_space<hbm>>) dst(%arg6 : memref<16x1024xf32, #tpu.memory_space<vmem>>)
      %parallel_loop3A = arith.constant 0 : i32
      %parallel_loop3A_74 = arith.constant 1024 : i32
      %parallel_loop3A_75 = arith.constant 1 : i32
      scf.for %parallel_loop3A_171 = %parallel_loop3A to %parallel_loop3A_74 step %parallel_loop3A_75  : i32 {
        %parallel_loop3A_172 = arith.constant 6 : i32
        %parallel_loop3A_173 = arith.shrsi %parallel_loop3A_171, %parallel_loop3A_172 : i32
        %parallel_loop3A_174 = arith.constant 63 : i32
        %parallel_loop3A_175 = arith.andi %parallel_loop3A_171, %parallel_loop3A_174 : i32
        %parallel_loop3A_176 = arith.constant 16 : i32
        %parallel_loop3A_177 = arith.muli %parallel_loop3A_175, %parallel_loop3A_176 : i32
        %parallel_loop3A_178 = arith.index_cast %parallel_loop3A_173 : i32 to index
        %parallel_loop3A_179 = arith.index_cast %parallel_loop3A_177 : i32 to index
        %parallel_loop3A_180 = tpu.vector_load %arg6[%parallel_loop3A_178, %parallel_loop3A_179] {strides = array<i32>} : memref<16x1024xf32, #tpu.memory_space<vmem>>, vector<1x16xf32>,
        %parallel_loop3A_181 = vector.shape_cast %parallel_loop3A_180 : vector<1x16xf32> to vector<16xf32>
        %parallel_loop3A_182 = arith.constant 3.200000e+01 : f32
        %parallel_loop3A_183 = vector.broadcast %parallel_loop3A_182 : f32 to vector<16xf32>
        %parallel_loop3A_184 = arith.mulf %parallel_loop3A_181, %parallel_loop3A_183 : vector<16xf32>
        %parallel_loop3A_185 = arith.index_cast %parallel_loop3A_173 : i32 to index
        %parallel_loop3A_186 = arith.index_cast %parallel_loop3A_177 : i32 to index
        %parallel_loop3A_187 = tpu.vector_load %arg6[%parallel_loop3A_185, %parallel_loop3A_186] {strides = array<i32>} : memref<16x1024xf32, #tpu.memory_space<vmem>>, vector<1x16xf32>,
        %parallel_loop3A_188 = vector.shape_cast %parallel_loop3A_187 : vector<1x16xf32> to vector<16xf32>
        %parallel_loop3A_189 = vector.shape_cast %parallel_loop3A_184 : vector<16xf32> to vector<1x16xf32>
        tpu.vector_store %arg6[%parallel_loop3A_185, %parallel_loop3A_186], %parallel_loop3A_189 {strides = array<i32>} : memref<16x1024xf32, #tpu.memory_space<vmem>>, vector<1x16xf32>,
      } {sc.loop_unroll_factor = 8 : i64, sc.parallel_access}
      %mul3A_76 = arith.constant 16 : i32
      %mul3A_77 = arith.muli %add3A_60, %mul3A_76 : i32
      %add3A_78 = arith.addi %mul3A_2, %mul3A_77 : i32
      %multiple_of3A_79 = tpu.assume_multiple %add3A_78, 16 : i32
      %dma_start3A_80 = arith.constant 0 : i32
      %dma_start3A_81 = tpu.memref_slice %arg4[%multiple_of3A_79, %dma_start3A_80] : memref<16384x1024xf32, #tpu.memory_space<hbm>> -> memref<16x1024xf32, #tpu.memory_space<hbm>>
      %dma_start3A_82 = arith.constant 0 : i32
      %dma_start3A_83 = tpu.memref_slice %arg4[%multiple_of3A_79, %dma_start3A_82] : memref<16384x1024xf32, #tpu.memory_space<hbm>> -> memref<16x1024xf32, #tpu.memory_space<hbm>>
      tpu.enqueue_dma source(%arg6 : memref<16x1024xf32, #tpu.memory_space<vmem>>) target(%dma_start3A_83 : memref<16x1024xf32, #tpu.memory_space<hbm>>) target_semaphore(%arg14 : memref<!tpu.dma_semaphore, #tpu.memory_space<semaphore_mem>>)
      %add3A_84 = arith.constant 1 : i32
      %add3A_85 = arith.addi %mul3A_58, %add3A_84 : i32
      %ge3A_86 = arith.constant 2 : i32
      %ge3A_87 = arith.cmpi sge, %add3A_85, %ge3A_86 : i32
      %convert_element_type3A_88 = arith.extui %ge3A_87 : i1 to i32
      %cond3A_89 = arith.constant 0 : i32
      %cond3A_90 = arith.cmpi ne, %convert_element_type3A_88, %cond3A_89 : i32
      scf.if %cond3A_90 {
        %dma_wait3A_171 = arith.constant 0 : i32
        %dma_wait3A_172 = tpu.memref_slice %arg4[%mul3A_2, %dma_wait3A_171] : memref<16384x1024xf32, #tpu.memory_space<hbm>> -> memref<16x1024xf32, #tpu.memory_space<hbm>>
        %dma_wait3A_173 = arith.constant 0 : i32
        %dma_wait3A_174 = tpu.memref_slice %arg4[%mul3A_2, %dma_wait3A_173] : memref<16384x1024xf32, #tpu.memory_space<hbm>> -> memref<16x1024xf32, #tpu.memory_space<hbm>>
        tpu.wait_dma2 semaphore(%arg17 : memref<!tpu.dma_semaphore, #tpu.memory_space<semaphore_mem>>) src(%dma_wait3A_174 : memref<16x1024xf32, #tpu.memory_space<hbm>>) dst(%arg9 : memref<16x1024xf32, #tpu.memory_space<vmem>>)
      } else {
      }
      %add3A_91 = arith.constant 2 : i32
      %add3A_92 = arith.addi %add3A_85, %add3A_91 : i32
      %lt3A_93 = arith.constant 32 : i32
      %lt3A_94 = arith.cmpi slt, %add3A_92, %lt3A_93 : i32
      %convert_element_type3A_95 = arith.extui %lt3A_94 : i1 to i32
      %cond3A_96 = arith.constant 0 : i32
      %cond3A_97 = arith.cmpi ne, %convert_element_type3A_95, %cond3A_96 : i32
      scf.if %cond3A_97 {
        %add3A_171 = arith.constant 2 : i32
        %add3A_172 = arith.addi %add3A_85, %add3A_171 : i32
        %mul3A_173 = arith.constant 16 : i32
        %mul3A_174 = arith.muli %add3A_172, %mul3A_173 : i32
        %multiple_of3A_175 = tpu.assume_multiple %mul3A_174, 16 : i32
        %dma_start3A_176 = tpu.memref_slice %arg5[%multiple_of3A_175] : memref<512xi32, #tpu.memory_space<vmem>> -> memref<16xi32, #tpu.memory_space<vmem>>
        %dma_start3A_177 = arith.constant 0 : i32
        %dma_start3A_178 = arith.constant 0 : i32
        %dma_start3A_179 = tpu.memref_slice %arg2[%dma_start3A_177, %dma_start3A_178] : memref<100000x1024xf32, #tpu.memory_space<hbm>> -> memref<100000x1024xf32, #tpu.memory_space<hbm>>
        tpu.enqueue_indirect_dma source(%dma_start3A_179 : memref<100000x1024xf32, #tpu.memory_space<hbm>>) target(%arg9 : memref<16x1024xf32, #tpu.memory_space<vmem>>) offsets(%dma_start3A_176 : memref<16xi32, #tpu.memory_space<vmem>>) semaphore(%arg13 : memref<!tpu.dma_semaphore, #tpu.memory_space<semaphore_mem>>)
      } else {
      }
      %dma_wait3A_98 = arith.constant 0 : i32
      %dma_wait3A_99 = tpu.memref_slice %arg4[%mul3A_2, %dma_wait3A_98] : memref<16384x1024xf32, #tpu.memory_space<hbm>> -> memref<16x1024xf32, #tpu.memory_space<hbm>>
      %dma_wait3A_100 = arith.constant 0 : i32
      %dma_wait3A_101 = tpu.memref_slice %arg4[%mul3A_2, %dma_wait3A_100] : memref<16384x1024xf32, #tpu.memory_space<hbm>> -> memref<16x1024xf32, #tpu.memory_space<hbm>>
      tpu.wait_dma2 semaphore(%arg11 : memref<!tpu.dma_semaphore, #tpu.memory_space<semaphore_mem>>) src(%dma_wait3A_101 : memref<16x1024xf32, #tpu.memory_space<hbm>>) dst(%arg7 : memref<16x1024xf32, #tpu.memory_space<vmem>>)
      %parallel_loop3A_102 = arith.constant 0 : i32
      %parallel_loop3A_103 = arith.constant 1024 : i32
      %parallel_loop3A_104 = arith.constant 1 : i32
      scf.for %parallel_loop3A_171 = %parallel_loop3A_102 to %parallel_loop3A_103 step %parallel_loop3A_104  : i32 {
        %parallel_loop3A_172 = arith.constant 6 : i32
        %parallel_loop3A_173 = arith.shrsi %parallel_loop3A_171, %parallel_loop3A_172 : i32
        %parallel_loop3A_174 = arith.constant 63 : i32
        %parallel_loop3A_175 = arith.andi %parallel_loop3A_171, %parallel_loop3A_174 : i32
        %parallel_loop3A_176 = arith.constant 16 : i32
        %parallel_loop3A_177 = arith.muli %parallel_loop3A_175, %parallel_loop3A_176 : i32
        %parallel_loop3A_178 = arith.index_cast %parallel_loop3A_173 : i32 to index
        %parallel_loop3A_179 = arith.index_cast %parallel_loop3A_177 : i32 to index
        %parallel_loop3A_180 = tpu.vector_load %arg7[%parallel_loop3A_178, %parallel_loop3A_179] {strides = array<i32>} : memref<16x1024xf32, #tpu.memory_space<vmem>>, vector<1x16xf32>,
        %parallel_loop3A_181 = vector.shape_cast %parallel_loop3A_180 : vector<1x16xf32> to vector<16xf32>
        %parallel_loop3A_182 = arith.constant 3.200000e+01 : f32
        %parallel_loop3A_183 = vector.broadcast %parallel_loop3A_182 : f32 to vector<16xf32>
        %parallel_loop3A_184 = arith.mulf %parallel_loop3A_181, %parallel_loop3A_183 : vector<16xf32>
        %parallel_loop3A_185 = arith.index_cast %parallel_loop3A_173 : i32 to index
        %parallel_loop3A_186 = arith.index_cast %parallel_loop3A_177 : i32 to index
        %parallel_loop3A_187 = tpu.vector_load %arg7[%parallel_loop3A_185, %parallel_loop3A_186] {strides = array<i32>} : memref<16x1024xf32, #tpu.memory_space<vmem>>, vector<1x16xf32>,
        %parallel_loop3A_188 = vector.shape_cast %parallel_loop3A_187 : vector<1x16xf32> to vector<16xf32>
        %parallel_loop3A_189 = vector.shape_cast %parallel_loop3A_184 : vector<16xf32> to vector<1x16xf32>
        tpu.vector_store %arg7[%parallel_loop3A_185, %parallel_loop3A_186], %parallel_loop3A_189 {strides = array<i32>} : memref<16x1024xf32, #tpu.memory_space<vmem>>, vector<1x16xf32>,
      } {sc.loop_unroll_factor = 8 : i64, sc.parallel_access}
      %mul3A_105 = arith.constant 16 : i32
      %mul3A_106 = arith.muli %add3A_85, %mul3A_105 : i32
      %add3A_107 = arith.addi %mul3A_2, %mul3A_106 : i32
      %multiple_of3A_108 = tpu.assume_multiple %add3A_107, 16 : i32
      %dma_start3A_109 = arith.constant 0 : i32
      %dma_start3A_110 = tpu.memref_slice %arg4[%multiple_of3A_108, %dma_start3A_109] : memref<16384x1024xf32, #tpu.memory_space<hbm>> -> memref<16x1024xf32, #tpu.memory_space<hbm>>
      %dma_start3A_111 = arith.constant 0 : i32
      %dma_start3A_112 = tpu.memref_slice %arg4[%multiple_of3A_108, %dma_start3A_111] : memref<16384x1024xf32, #tpu.memory_space<hbm>> -> memref<16x1024xf32, #tpu.memory_space<hbm>>
      tpu.enqueue_dma source(%arg7 : memref<16x1024xf32, #tpu.memory_space<vmem>>) target(%dma_start3A_112 : memref<16x1024xf32, #tpu.memory_space<hbm>>) target_semaphore(%arg15 : memref<!tpu.dma_semaphore, #tpu.memory_space<semaphore_mem>>)
      %add3A_113 = arith.constant 2 : i32
      %add3A_114 = arith.addi %mul3A_58, %add3A_113 : i32
      %ge3A_115 = arith.constant 2 : i32
      %ge3A_116 = arith.cmpi sge, %add3A_114, %ge3A_115 : i32
      %convert_element_type3A_117 = arith.extui %ge3A_116 : i1 to i32
      %cond3A_118 = arith.constant 0 : i32
      %cond3A_119 = arith.cmpi ne, %convert_element_type3A_117, %cond3A_118 : i32
      scf.if %cond3A_119 {
        %dma_wait3A_171 = arith.constant 0 : i32
        %dma_wait3A_172 = tpu.memref_slice %arg4[%mul3A_2, %dma_wait3A_171] : memref<16384x1024xf32, #tpu.memory_space<hbm>> -> memref<16x1024xf32, #tpu.memory_space<hbm>>
        %dma_wait3A_173 = arith.constant 0 : i32
        %dma_wait3A_174 = tpu.memref_slice %arg4[%mul3A_2, %dma_wait3A_173] : memref<16384x1024xf32, #tpu.memory_space<hbm>> -> memref<16x1024xf32, #tpu.memory_space<hbm>>
        tpu.wait_dma2 semaphore(%arg14 : memref<!tpu.dma_semaphore, #tpu.memory_space<semaphore_mem>>) src(%dma_wait3A_174 : memref<16x1024xf32, #tpu.memory_space<hbm>>) dst(%arg6 : memref<16x1024xf32, #tpu.memory_space<vmem>>)
      } else {
      }
      %add3A_120 = arith.constant 2 : i32
      %add3A_121 = arith.addi %add3A_114, %add3A_120 : i32
      %lt3A_122 = arith.constant 32 : i32
      %lt3A_123 = arith.cmpi slt, %add3A_121, %lt3A_122 : i32
      %convert_element_type3A_124 = arith.extui %lt3A_123 : i1 to i32
      %cond3A_125 = arith.constant 0 : i32
      %cond3A_126 = arith.cmpi ne, %convert_element_type3A_124, %cond3A_125 : i32
      scf.if %cond3A_126 {
        %add3A_171 = arith.constant 2 : i32
        %add3A_172 = arith.addi %add3A_114, %add3A_171 : i32
        %mul3A_173 = arith.constant 16 : i32
        %mul3A_174 = arith.muli %add3A_172, %mul3A_173 : i32
        %multiple_of3A_175 = tpu.assume_multiple %mul3A_174, 16 : i32
        %dma_start3A_176 = tpu.memref_slice %arg5[%multiple_of3A_175] : memref<512xi32, #tpu.memory_space<vmem>> -> memref<16xi32, #tpu.memory_space<vmem>>
        %dma_start3A_177 = arith.constant 0 : i32
        %dma_start3A_178 = arith.constant 0 : i32
        %dma_start3A_179 = tpu.memref_slice %arg2[%dma_start3A_177, %dma_start3A_178] : memref<100000x1024xf32, #tpu.memory_space<hbm>> -> memref<100000x1024xf32, #tpu.memory_space<hbm>>
        tpu.enqueue_indirect_dma source(%dma_start3A_179 : memref<100000x1024xf32, #tpu.memory_space<hbm>>) target(%arg6 : memref<16x1024xf32, #tpu.memory_space<vmem>>) offsets(%dma_start3A_176 : memref<16xi32, #tpu.memory_space<vmem>>) semaphore(%arg10 : memref<!tpu.dma_semaphore, #tpu.memory_space<semaphore_mem>>)
      } else {
      }
      %dma_wait3A_127 = arith.constant 0 : i32
      %dma_wait3A_128 = tpu.memref_slice %arg4[%mul3A_2, %dma_wait3A_127] : memref<16384x1024xf32, #tpu.memory_space<hbm>> -> memref<16x1024xf32, #tpu.memory_space<hbm>>
      %dma_wait3A_129 = arith.constant 0 : i32
      %dma_wait3A_130 = tpu.memref_slice %arg4[%mul3A_2, %dma_wait3A_129] : memref<16384x1024xf32, #tpu.memory_space<hbm>> -> memref<16x1024xf32, #tpu.memory_space<hbm>>
      tpu.wait_dma2 semaphore(%arg12 : memref<!tpu.dma_semaphore, #tpu.memory_space<semaphore_mem>>) src(%dma_wait3A_130 : memref<16x1024xf32, #tpu.memory_space<hbm>>) dst(%arg8 : memref<16x1024xf32, #tpu.memory_space<vmem>>)
      %parallel_loop3A_131 = arith.constant 0 : i32
      %parallel_loop3A_132 = arith.constant 1024 : i32
      %parallel_loop3A_133 = arith.constant 1 : i32
      scf.for %parallel_loop3A_171 = %parallel_loop3A_131 to %parallel_loop3A_132 step %parallel_loop3A_133  : i32 {
        %parallel_loop3A_172 = arith.constant 6 : i32
        %parallel_loop3A_173 = arith.shrsi %parallel_loop3A_171, %parallel_loop3A_172 : i32
        %parallel_loop3A_174 = arith.constant 63 : i32
        %parallel_loop3A_175 = arith.andi %parallel_loop3A_171, %parallel_loop3A_174 : i32
        %parallel_loop3A_176 = arith.constant 16 : i32
        %parallel_loop3A_177 = arith.muli %parallel_loop3A_175, %parallel_loop3A_176 : i32
        %parallel_loop3A_178 = arith.index_cast %parallel_loop3A_173 : i32 to index
        %parallel_loop3A_179 = arith.index_cast %parallel_loop3A_177 : i32 to index
        %parallel_loop3A_180 = tpu.vector_load %arg8[%parallel_loop3A_178, %parallel_loop3A_179] {strides = array<i32>} : memref<16x1024xf32, #tpu.memory_space<vmem>>, vector<1x16xf32>,
        %parallel_loop3A_181 = vector.shape_cast %parallel_loop3A_180 : vector<1x16xf32> to vector<16xf32>
        %parallel_loop3A_182 = arith.constant 3.200000e+01 : f32
        %parallel_loop3A_183 = vector.broadcast %parallel_loop3A_182 : f32 to vector<16xf32>
        %parallel_loop3A_184 = arith.mulf %parallel_loop3A_181, %parallel_loop3A_183 : vector<16xf32>
        %parallel_loop3A_185 = arith.index_cast %parallel_loop3A_173 : i32 to index
        %parallel_loop3A_186 = arith.index_cast %parallel_loop3A_177 : i32 to index
        %parallel_loop3A_187 = tpu.vector_load %arg8[%parallel_loop3A_185, %parallel_loop3A_186] {strides = array<i32>} : memref<16x1024xf32, #tpu.memory_space<vmem>>, vector<1x16xf32>,
        %parallel_loop3A_188 = vector.shape_cast %parallel_loop3A_187 : vector<1x16xf32> to vector<16xf32>
        %parallel_loop3A_189 = vector.shape_cast %parallel_loop3A_184 : vector<16xf32> to vector<1x16xf32>
        tpu.vector_store %arg8[%parallel_loop3A_185, %parallel_loop3A_186], %parallel_loop3A_189 {strides = array<i32>} : memref<16x1024xf32, #tpu.memory_space<vmem>>, vector<1x16xf32>,
      } {sc.loop_unroll_factor = 8 : i64, sc.parallel_access}
      %mul3A_134 = arith.constant 16 : i32
      %mul3A_135 = arith.muli %add3A_114, %mul3A_134 : i32
      %add3A_136 = arith.addi %mul3A_2, %mul3A_135 : i32
      %multiple_of3A_137 = tpu.assume_multiple %add3A_136, 16 : i32
      %dma_start3A_138 = arith.constant 0 : i32
      %dma_start3A_139 = tpu.memref_slice %arg4[%multiple_of3A_137, %dma_start3A_138] : memref<16384x1024xf32, #tpu.memory_space<hbm>> -> memref<16x1024xf32, #tpu.memory_space<hbm>>
      %dma_start3A_140 = arith.constant 0 : i32
      %dma_start3A_141 = tpu.memref_slice %arg4[%multiple_of3A_137, %dma_start3A_140] : memref<16384x1024xf32, #tpu.memory_space<hbm>> -> memref<16x1024xf32, #tpu.memory_space<hbm>>
      tpu.enqueue_dma source(%arg8 : memref<16x1024xf32, #tpu.memory_space<vmem>>) target(%dma_start3A_141 : memref<16x1024xf32, #tpu.memory_space<hbm>>) target_semaphore(%arg16 : memref<!tpu.dma_semaphore, #tpu.memory_space<semaphore_mem>>)
      %add3A_142 = arith.constant 3 : i32
      %add3A_143 = arith.addi %mul3A_58, %add3A_142 : i32
      %ge3A_144 = arith.constant 2 : i32
      %ge3A_145 = arith.cmpi sge, %add3A_143, %ge3A_144 : i32
      %convert_element_type3A_146 = arith.extui %ge3A_145 : i1 to i32
      %cond3A_147 = arith.constant 0 : i32
      %cond3A_148 = arith.cmpi ne, %convert_element_type3A_146, %cond3A_147 : i32
      scf.if %cond3A_148 {
        %dma_wait3A_171 = arith.constant 0 : i32
        %dma_wait3A_172 = tpu.memref_slice %arg4[%mul3A_2, %dma_wait3A_171] : memref<16384x1024xf32, #tpu.memory_space<hbm>> -> memref<16x1024xf32, #tpu.memory_space<hbm>>
        %dma_wait3A_173 = arith.constant 0 : i32
        %dma_wait3A_174 = tpu.memref_slice %arg4[%mul3A_2, %dma_wait3A_173] : memref<16384x1024xf32, #tpu.memory_space<hbm>> -> memref<16x1024xf32, #tpu.memory_space<hbm>>
        tpu.wait_dma2 semaphore(%arg15 : memref<!tpu.dma_semaphore, #tpu.memory_space<semaphore_mem>>) src(%dma_wait3A_174 : memref<16x1024xf32, #tpu.memory_space<hbm>>) dst(%arg7 : memref<16x1024xf32, #tpu.memory_space<vmem>>)
      } else {
      }
      %add3A_149 = arith.constant 2 : i32
      %add3A_150 = arith.addi %add3A_143, %add3A_149 : i32
      %lt3A_151 = arith.constant 32 : i32
      %lt3A_152 = arith.cmpi slt, %add3A_150, %lt3A_151 : i32
      %convert_element_type3A_153 = arith.extui %lt3A_152 : i1 to i32
      %cond3A_154 = arith.constant 0 : i32
      %cond3A_155 = arith.cmpi ne, %convert_element_type3A_153, %cond3A_154 : i32
      scf.if %cond3A_155 {
        %add3A_171 = arith.constant 2 : i32
        %add3A_172 = arith.addi %add3A_143, %add3A_171 : i32
        %mul3A_173 = arith.constant 16 : i32
        %mul3A_174 = arith.muli %add3A_172, %mul3A_173 : i32
        %multiple_of3A_175 = tpu.assume_multiple %mul3A_174, 16 : i32
        %dma_start3A_176 = tpu.memref_slice %arg5[%multiple_of3A_175] : memref<512xi32, #tpu.memory_space<vmem>> -> memref<16xi32, #tpu.memory_space<vmem>>
        %dma_start3A_177 = arith.constant 0 : i32
        %dma_start3A_178 = arith.constant 0 : i32
        %dma_start3A_179 = tpu.memref_slice %arg2[%dma_start3A_177, %dma_start3A_178] : memref<100000x1024xf32, #tpu.memory_space<hbm>> -> memref<100000x1024xf32, #tpu.memory_space<hbm>>
        tpu.enqueue_indirect_dma source(%dma_start3A_179 : memref<100000x1024xf32, #tpu.memory_space<hbm>>) target(%arg7 : memref<16x1024xf32, #tpu.memory_space<vmem>>) offsets(%dma_start3A_176 : memref<16xi32, #tpu.memory_space<vmem>>) semaphore(%arg11 : memref<!tpu.dma_semaphore, #tpu.memory_space<semaphore_mem>>)
      } else {
      }
      %dma_wait3A_156 = arith.constant 0 : i32
      %dma_wait3A_157 = tpu.memref_slice %arg4[%mul3A_2, %dma_wait3A_156] : memref<16384x1024xf32, #tpu.memory_space<hbm>> -> memref<16x1024xf32, #tpu.memory_space<hbm>>
      %dma_wait3A_158 = arith.constant 0 : i32
      %dma_wait3A_159 = tpu.memref_slice %arg4[%mul3A_2, %dma_wait3A_158] : memref<16384x1024xf32, #tpu.memory_space<hbm>> -> memref<16x1024xf32, #tpu.memory_space<hbm>>
      tpu.wait_dma2 semaphore(%arg13 : memref<!tpu.dma_semaphore, #tpu.memory_space<semaphore_mem>>) src(%dma_wait3A_159 : memref<16x1024xf32, #tpu.memory_space<hbm>>) dst(%arg9 : memref<16x1024xf32, #tpu.memory_space<vmem>>)
      %parallel_loop3A_160 = arith.constant 0 : i32
      %parallel_loop3A_161 = arith.constant 1024 : i32
      %parallel_loop3A_162 = arith.constant 1 : i32
      scf.for %parallel_loop3A_171 = %parallel_loop3A_160 to %parallel_loop3A_161 step %parallel_loop3A_162  : i32 {
        %parallel_loop3A_172 = arith.constant 6 : i32
        %parallel_loop3A_173 = arith.shrsi %parallel_loop3A_171, %parallel_loop3A_172 : i32
        %parallel_loop3A_174 = arith.constant 63 : i32
        %parallel_loop3A_175 = arith.andi %parallel_loop3A_171, %parallel_loop3A_174 : i32
        %parallel_loop3A_176 = arith.constant 16 : i32
        %parallel_loop3A_177 = arith.muli %parallel_loop3A_175, %parallel_loop3A_176 : i32
        %parallel_loop3A_178 = arith.index_cast %parallel_loop3A_173 : i32 to index
        %parallel_loop3A_179 = arith.index_cast %parallel_loop3A_177 : i32 to index
        %parallel_loop3A_180 = tpu.vector_load %arg9[%parallel_loop3A_178, %parallel_loop3A_179] {strides = array<i32>} : memref<16x1024xf32, #tpu.memory_space<vmem>>, vector<1x16xf32>,
        %parallel_loop3A_181 = vector.shape_cast %parallel_loop3A_180 : vector<1x16xf32> to vector<16xf32>
        %parallel_loop3A_182 = arith.constant 3.200000e+01 : f32
        %parallel_loop3A_183 = vector.broadcast %parallel_loop3A_182 : f32 to vector<16xf32>
        %parallel_loop3A_184 = arith.mulf %parallel_loop3A_181, %parallel_loop3A_183 : vector<16xf32>
        %parallel_loop3A_185 = arith.index_cast %parallel_loop3A_173 : i32 to index
        %parallel_loop3A_186 = arith.index_cast %parallel_loop3A_177 : i32 to index
        %parallel_loop3A_187 = tpu.vector_load %arg9[%parallel_loop3A_185, %parallel_loop3A_186] {strides = array<i32>} : memref<16x1024xf32, #tpu.memory_space<vmem>>, vector<1x16xf32>,
        %parallel_loop3A_188 = vector.shape_cast %parallel_loop3A_187 : vector<1x16xf32> to vector<16xf32>
        %parallel_loop3A_189 = vector.shape_cast %parallel_loop3A_184 : vector<16xf32> to vector<1x16xf32>
        tpu.vector_store %arg9[%parallel_loop3A_185, %parallel_loop3A_186], %parallel_loop3A_189 {strides = array<i32>} : memref<16x1024xf32, #tpu.memory_space<vmem>>, vector<1x16xf32>,
      } {sc.loop_unroll_factor = 8 : i64, sc.parallel_access}
      %mul3A_163 = arith.constant 16 : i32
      %mul3A_164 = arith.muli %add3A_143, %mul3A_163 : i32
      %add3A_165 = arith.addi %mul3A_2, %mul3A_164 : i32
      %multiple_of3A_166 = tpu.assume_multiple %add3A_165, 16 : i32
      %dma_start3A_167 = arith.constant 0 : i32
      %dma_start3A_168 = tpu.memref_slice %arg4[%multiple_of3A_166, %dma_start3A_167] : memref<16384x1024xf32, #tpu.memory_space<hbm>> -> memref<16x1024xf32, #tpu.memory_space<hbm>>
      %dma_start3A_169 = arith.constant 0 : i32
      %dma_start3A_170 = tpu.memref_slice %arg4[%multiple_of3A_166, %dma_start3A_169] : memref<16384x1024xf32, #tpu.memory_space<hbm>> -> memref<16x1024xf32, #tpu.memory_space<hbm>>
      tpu.enqueue_dma source(%arg9 : memref<16x1024xf32, #tpu.memory_space<vmem>>) target(%dma_start3A_170 : memref<16x1024xf32, #tpu.memory_space<hbm>>) target_semaphore(%arg17 : memref<!tpu.dma_semaphore, #tpu.memory_space<semaphore_mem>>)
    }
    %scan3A_48 = arith.constant 8 : i32
    %dma_wait3A = arith.constant 0 : i32
    %dma_wait3A_49 = tpu.memref_slice %arg4[%mul3A_2, %dma_wait3A] : memref<16384x1024xf32, #tpu.memory_space<hbm>> -> memref<16x1024xf32, #tpu.memory_space<hbm>>
    %dma_wait3A_50 = arith.constant 0 : i32
    %dma_wait3A_51 = tpu.memref_slice %arg4[%mul3A_2, %dma_wait3A_50] : memref<16384x1024xf32, #tpu.memory_space<hbm>> -> memref<16x1024xf32, #tpu.memory_space<hbm>>
    tpu.wait_dma2 semaphore(%arg16 : memref<!tpu.dma_semaphore, #tpu.memory_space<semaphore_mem>>) src(%dma_wait3A_51 : memref<16x1024xf32, #tpu.memory_space<hbm>>) dst(%arg8 : memref<16x1024xf32, #tpu.memory_space<vmem>>)
    %dma_wait3A_52 = arith.constant 0 : i32
    %dma_wait3A_53 = tpu.memref_slice %arg4[%mul3A_2, %dma_wait3A_52] : memref<16384x1024xf32, #tpu.memory_space<hbm>> -> memref<16x1024xf32, #tpu.memory_space<hbm>>
    %dma_wait3A_54 = arith.constant 0 : i32
    %dma_wait3A_55 = tpu.memref_slice %arg4[%mul3A_2, %dma_wait3A_54] : memref<16384x1024xf32, #tpu.memory_space<hbm>> -> memref<16x1024xf32, #tpu.memory_space<hbm>>
    tpu.wait_dma2 semaphore(%arg17 : memref<!tpu.dma_semaphore, #tpu.memory_space<semaphore_mem>>) src(%dma_wait3A_55 : memref<16x1024xf32, #tpu.memory_space<hbm>>) dst(%arg9 : memref<16x1024xf32, #tpu.memory_space<vmem>>)
    return
  }
}

</mosaic_0001>

<sc_bundles>
// kernel: kernel.3.cloned.1.call-start
scs
__scs_entry_jumppad:
0x0: {  	(pc) =	sbr.rel $0x88, $3  }
0x1: {  	(tag) =	ssettag $0x0;
	lr =	simm.s32 $0x1  }
0x2: {  	[smem:$0x3F9F] =	sst lr;
	_ =	strace $0xD0000000  }
0x3: {  	_ = 	snop  }
0x4: {  	_ = 	snop  }
0x5: {  	_ = 	snop  }
0x6: {  	_ = 	snop  }
0x7: {  	_ = 	snop  }
__scs_overlays_trampoline_lowered:
0x8: {  	[smem:$0x3FAE] =	sst s0  }
0x9: {  	[smem:$0x3FAF] =	sst s1  }
0xa: {  	[smem:$0x3FB0] =	sst s2  }
0xb: {  	[smem:$0x3FB1] =	sst s3  }
0xc: {  	[smem:$0x3FB2] =	sst s4  }
0xd: {  	[smem:$0x3FB3] =	sst s5  }
0xe: {  	[smem:$0x3FB4] =	sst s6  }
0xf: {  	[smem:$0x3FB5] =	sst s7  }
0x10: {  	[smem:$0x3FB6] =	sst s8  }
0x11: {  	[smem:$0x3FB7] =	sst s9;
	s0 =	simm.s32 @!p0 $0x0  }
0x12: {  	s1 =	sld [smem:$0x3F9D];
	s0 =	simm.s32 @p0 $0x1  }
0x13: {  	[smem:$0x3FB8] =	sst s0;
	s0 =	simm.s32 @!p1 $0x0  }
0x14: {  	s2 =	sld [smem:$0x3F9C];
	s0 =	simm.s32 @p1 $0x1  }
0x15: {  	[smem:$0x3FB9] =	sst s0;
	s0 =	simm.s32 @!p2 $0x0  }
0x16: {  	s3 =	sld [smem:$0x3FDB];
	s0 =	simm.s32 @p2 $0x1  }
0x17: {  	s4 =	simm.s32 $0x1BF5;
	[smem:$0x3FBB] =	sst s0  }
0x18: {  	s0 =	sld [smem:$0x3F9E];
	_ =	swait.ge [sflag:s4], $0x0  }
0x19: {  	s7 =	sld [smem:$0x3F9F]  }
0x1a: {  	s8 =	sadd.s32 $0xFFFFE003, lr  }
0x1b: {  	s9 =	sadd.s32 $0xFFFFFEF7, lr;
	s5 =	simm.s32 $0xFFFFFFFF;
	p2 =	slt.u32 s8, $0xFFFFF086  }
0x1c: {  	p1 =	slt.u32 s9, $0xF7A;
	s5 =	simm.s32 @!p2 $0x0  }
0x1d: {  	s5 =	simm.s32 @p1 $0x1;
	p0 =	seq.s32 s7, s2  }
0x1e: {  	s7 =	smul.u32 @!p0 $0xF7A, s2;
	p2 =	seq.s32 @!p0 s5, $0x0  }
0x1f: {  	s9 =	smul.u32 $0xF7A, s1;
	s8 =	simm.s32 @!p0 $0x1BF5;
	p2 =	por !p2, p0  }
0x20: {  	[sflag:s8] =	ssyncset.s32 @!p0 $0xFFFFF086;
	s6 =	sadd.s32 @!p0 s3, s7;
	s7 =	simm.s32 @!p0 $0x108  }
0x21: {  	s3 =	sadd.s32 s3, s9;
	s6 =	sadd.s32 @!p0 $0x88, s6;
	s7 =	simm.s32 @p2 $0x1082  }
0x22: {  	[simem:s7], [sflag:s8] =	dma.local @!p0 [hbm:s6], $0xF7A  }
0x23: {  	s9 =	sor.u32 $0xD0000000, s2;
	s6 =	simm.s32 $0x108;
	_ =	swait.ge @!p0 [sflag:s8], $0x0  }
0x24: {  	s3 =	sadd.s32 $0x88, s3;
	s6 =	simm.s32 @!p1 $0x1082;
	[sflag:s4] =	ssyncset.s32 $0xFFFFF086  }
0x25: {  	[simem:s6], [sflag:s4] =	dma.local [hbm:s3], $0xF7A  }
0x26: {  	[smem:$0x3F9F] =	sst s1;
	(tag) =	ssettag s2;
	_ =	strace s9  }
0x27: {  	s1 =	sld [smem:$0x3FAF]  }
0x28: {  	s2 =	sld [smem:$0x3FB0]  }
0x29: {  	s4 =	sld [smem:$0x3FB2]  }
0x2a: {  	p0 =	seq.s32 s5, $0x0;
	s5 =	sld [smem:$0x3FB3]  }
0x2b: {  	s6 =	sld [smem:$0x3FB4]  }
0x2c: {  	s7 =	sld [smem:$0x3FB5]  }
0x2d: {  	s3 =	simm.s32 $0x108;
	s8 =	sld [smem:$0x3FB6]  }
0x2e: {  	s3 =	simm.s32 @!p0 $0x1082;
	s9 =	sld [smem:$0x3FB7]  }
0x2f: {  	lr =	sadd.s32 s0, s3;
	s0 =	sld [smem:$0x3FAE]  }
0x30: {  	s3 =	sld [smem:$0x3FB1]  }
0x31: {  	[smem:$0x3FBA] =	sst s10  }
0x32: {  	s10 =	sld [smem:$0x3FB8];
	_ =	sdelay $0x3  }
0x33: {  	p0 =	seq.s32 s10, $0x1;
	s10 =	sld [smem:$0x3FBA];
	_ =	sdelay $0x3  }
0x34: {  	[smem:$0x3FBA] =	sst s10  }
0x35: {  	s10 =	sld [smem:$0x3FB9];
	_ =	sdelay $0x3  }
0x36: {  	p1 =	seq.s32 s10, $0x1;
	s10 =	sld [smem:$0x3FBA];
	_ =	sdelay $0x3  }
0x37: {  	[smem:$0x3FBA] =	sst s10  }
0x38: {  	s10 =	sld [smem:$0x3FBB]  }
0x39: {  	_ = 	snop;
	(pc) =	sbr.ind lr, $3  }
0x3a: {  	_ = 	snop  }
0x3b: {  	_ = 	snop  }
0x3c: {  	p2 =	seq.s32 s10, $0x1;
	s10 =	sld [smem:$0x3FBA]  }
0x3d: {  	_ =	shalt  }
0x3e: {  	_ =	shalt  }
0x3f: {  	_ =	shalt  }
0x40: {  	_ =	shalt  }
0x41: {  	_ =	shalt  }
0x42: {  	_ =	shalt  }
0x43: {  	_ =	shalt  }
0x44: {  	_ =	shalt  }
0x45: {  	_ =	shalt  }
0x46: {  	_ =	shalt  }
0x47: {  	_ =	shalt  }
0x48: {  	_ =	shalt  }
0x49: {  	_ =	shalt  }
0x4a: {  	_ =	shalt  }
0x4b: {  	_ =	shalt  }
0x4c: {  	_ =	shalt  }
0x4d: {  	_ =	shalt  }
0x4e: {  	_ =	shalt  }
0x4f: {  	_ =	shalt  }
0x50: {  	_ =	shalt  }
0x51: {  	_ =	shalt  }
0x52: {  	_ =	shalt  }
0x53: {  	_ =	shalt  }
0x54: {  	_ =	shalt  }
0x55: {  	_ =	shalt  }
0x56: {  	_ =	shalt  }
0x57: {  	_ =	shalt  }
0x58: {  	_ =	shalt  }
0x59: {  	_ =	shalt  }
0x5a: {  	_ =	shalt  }
0x5b: {  	_ =	shalt  }
0x5c: {  	_ =	shalt  }
0x5d: {  	_ =	shalt  }
0x5e: {  	_ =	shalt  }
0x5f: {  	_ =	shalt  }
0x60: {  	_ =	shalt  }
0x61: {  	_ =	shalt  }
0x62: {  	_ =	shalt  }
0x63: {  	_ =	shalt  }
0x64: {  	_ =	shalt  }
0x65: {  	_ =	shalt  }
0x66: {  	_ =	shalt  }
0x67: {  	_ =	shalt  }
0x68: {  	_ =	shalt  }
0x69: {  	_ =	shalt  }
0x6a: {  	_ =	shalt  }
0x6b: {  	_ =	shalt  }
0x6c: {  	_ =	shalt  }
0x6d: {  	_ =	shalt  }
0x6e: {  	_ =	shalt  }
0x6f: {  	_ =	shalt  }
0x70: {  	_ =	shalt  }
0x71: {  	_ =	shalt  }
0x72: {  	_ =	shalt  }
0x73: {  	_ =	shalt  }
0x74: {  	_ =	shalt  }
0x75: {  	_ =	shalt  }
0x76: {  	_ =	shalt  }
0x77: {  	_ =	shalt  }
0x78: {  	_ =	shalt  }
0x79: {  	_ =	shalt  }
0x7a: {  	_ =	shalt  }
0x7b: {  	_ =	shalt  }
0x7c: {  	_ =	shalt  }
0x7d: {  	_ =	shalt  }
0x7e: {  	_ =	shalt  }
0x7f: {  	_ =	shalt  }
0x80: {  	_ =	shalt  }
0x81: {  	_ =	shalt  }
0x82: {  	_ =	shalt  }
0x83: {  	_ =	shalt  }
0x84: {  	_ =	shalt  }
0x85: {  	_ =	shalt  }
0x86: {  	_ =	shalt  }
0x87: {  	_ =	shalt  }
.Lfunc_end0:
.L_simem_size_0:
called_computation_lowered:
.L_overlay_start_0:
0x88: {  	s2 =	sld [smem:$0x3FD9]  }
0x89: {  	s3 =	sld [smem:$0x3FFE];
	_ =	sdelay $0x1  }
0x8a: {  	s1 =	srdreg.scid  }
0x8b: {  	s0 =	sand.u32 $0x1, s1  }
0x8c: {  	s18 =	sshll.u32 s0, $0xA;
	s2 =	sadd.s32 s3, s2  }
0x8d: {  	s2 =	sadd.s32 s2, s18  }
0x8e: {  	[smem:$0x3FC6] =	sst s2  }
0x8f: {  	_ = 	snop  }
0x90: {  	s2 =	sld [smem:$0x3FC9]  }
0x91: {  	s19 =	sld [smem:$0x3FC8]  }
0x92: {  	s4 =	sld [smem:$0x3FD0];
	(tm) =	ssettm $0x1  }
0x93: {  	s5 =	sld [smem:$0x3FFB];
	_ =	sdelay $0x3  }
0x94: {  	_ =	strace s5  }
0x95: {  	s5 =	sld [smem:$0x3FFC];
	_ =	sdelay $0x3  }
0x96: {  	_ =	strace s5  }
0x97: {  	s5 =	sld [smem:$0x3FFD];
	_ =	sdelay $0x3  }
0x98: {  	_ =	strace s5  }
0x99: {  	_ =	strace $0x8FFFFFFF  }
0x9a: {  	s20 =	sld [smem:$0x3FDB];
	_ =	sdelay $0x1  }
0x9b: {  	s6 =	simm.s32 $_scs_section_size  }
0x9c: {  	s7 =	simm.s32 $_size__tile_overlayer_lowered;
	s8 =	simm.s32 $_tile_overlayer_lowered  }
0x9d: {  	s23 =	simm.s32 $0x1BFF;
	s22 =	sshll.u32 s8, $0x1;
	s5 =	sadd.s32 s6, s20  }
0x9e: {  	s9 =	simm.s32 $0x0;
	s21 =	sshll.u32 s7, $0x1;
	s7 =	sadd.s32 s22, s5  }
0x9f: {  	[timem:s9], [sflag:s23] =	dma.local [hbm:s7], s21  }
0xa0: {  	_ =	swait.ge [sflag:s23], s21  }
0xa1: {  	s6 =	ssub.s32 $0x0, s21;
	[sflag:s23] =	ssyncset.done $0x0  }
0xa2: {  	[sflag:s23] =	ssyncadd.s32 s6;
	_ =	sdelay $0x1  }
0xa3: {  	s24 =	simm.s32 $0x1B8B  }
0xa4: {  	_ =	swait.ge [sflag:s24], $0x1  }
0xa5: {  	[sflag:s24] =	ssyncset.done $0x0  }
0xa6: {  	s25 =	simm.s32 $0x1B8E;
	[sflag:s24] =	ssyncadd.s32 $0xFFFFFFFF  }
0xa7: {  	s26 =	simm.s32 $execute0_lowered;
	[smem:$0x3FD2] =	sst s25  }
0xa8: {  	s6 =	sshll.u32 s26, $0x1;
	_ =	strace $0x80000046;
	[dreg:$0x1] =	wrdreg $0xFFFFFFFF  }
0xa9: {  	s28 =	simm.s32 $_size_execute0_lowered;
	s5 =	sadd.s32 s5, s6;
	[dreg:$0x0] =	wrdreg $0x0  }
0xaa: {  	s6 =	sshll.u32 s28, $0x1;
	[dreg:$0x2] =	wrdreg s5  }
0xab: {  	[dreg:$0x3] =	wrdreg s6  }
0xac: {  	[dreg:$0x4] =	wrdreg $0xC0  }
0xad: {  	_ =	task [dreg:s9], $0x5FFFF  }
0xae: {  	[dreg:$0x1] =	wrdreg $0xFFFFFFFF  }
0xaf: {  	[dreg:$0x0] =	wrdreg $0x60  }
0xb0: {  	[dreg:$0x2] =	wrdreg s19  }
0xb1: {  	[dreg:$0x3] =	wrdreg s2  }
0xb2: {  	[dreg:$0x4] =	wrdreg s4  }
0xb3: {  	[dreg:$0x5] =	wrdreg $0x9  }
0xb4: {  	_ =	task.clear_ibuf [dreg:s9], $0x6FFFF;
	_ =	strace $0x90000046  }
0xb5: {  	s29 =	simm.s32 $0x9;
	_ =	strace $0x80000048  }
0xb6: {  	_ =	swait.ge [sflag:s29], $0x1  }
0xb7: {  	[sflag:s29] =	ssyncadd.s32 $0xFFFFFFFF  }
0xb8: {  	_ =	strace $0x90000048  }
0xb9: {  	_ =	sfence  }
0xba: {  	s30 =	sld [smem:$0x0];
	_ =	sdelay $0x2  }
0xbb: {  	s31 =	sshll.u32 s1, $0xD;
	s1 =	sshrl.u32 s1, $0x2  }
0xbc: {  	s3 =	sand.u32 $0x4000, s31;
	s1 =	sadd.s32 s1, s30  }
0xbd: {  	s0 =	sor.u32 s3, s0;
	s1 =	sshll.u32 s1, $0x11  }
0xbe: {  	s0 =	sor.u32 s1, s0  }
0xbf: {  	s0 =	sadd.s32 $0x8F2B, s0  }
0xc0: {  	[sflag:s0] =	ssyncadd.remote.s32 $0x1  }
0xc1: {  	_ =	sfence.sel $0xFFFF  }
0xc2: {  	[dreg:$0x0] =	wrdreg $0xFFFFFFFF;
	(pc) =	sbr.abs _section_cstart, $3  }
0xc3: {  	[dreg:$0x1] =	wrdreg $0xFFFFFFFF  }
0xc4: {  	_ =	task.clear_ibuf [dreg:s9], $0x2FFFF;
	_ =	strace $0x9FFFFFFF  }
0xc5: {  	(tm) =	ssettm $0x7FFFFFFF  }
tec
execute0_lowered:
.L_overlay_start_1:
0x0: {  	(tag) =	ssettag $0x1  }
0x1: {  	s1 =	rddreg [dreg:$0x0]  }
0x2: {  	s0 =	rddreg [dreg:$0x1]  }
0x3: {  	s2 =	rddreg [dreg:$0x2];
	s3 =	simm.s32 $0x0  }
0x4: {  	s4 =	srdreg.scid;
	s6 =	stileid.u32;
	s11 =	simm.s32 $0x200  }
0x5: {  	s20 =	simm.s32 $0x4200;
	s29 =	simm.s32 $0x8200;
	s15 =	simm.s32 $0x1  }
0x6: {  	s16 =	simm.s32 $0xC200;
	s21 =	simm.s32 $0xE200;
	s22 =	simm.s32 $0xEA00  }
0x7: {  	s23 =	simm.s32 $0xF200;
	s24 =	simm.s32 $0xFA00;
	s25 =	simm.s32 $0x2  }
0x8: {  	s26 =	simm.s32 $0x5;
	s28 =	simm.s32 $0x3;
	s9 =	simm.s32 $0x4  }
0x9: {  	s10 =	simm.s32 $0x0;
	[smem:$0x7FF] =	sst s3;
	s4 =	sand.u32 $0x1, s4  }
0xa: {  	s5 =	sshll.u32 s6, $0x1;
	s6 =	sshll.u32 s6, $0x2;
	_ =	strace $0x80000047  }
0xb: {  	s5 =	sor.u32 s4, s5;
	s4 =	ssub.s32 $0x2, s4;
	s6 =	sand.u32 $0x30, s6  }
0xc: {  	s7 =	sshll.u32 s5, $0x8;
	s8 =	sshrl.u32 s4, $0x1;
	s0 =	sadd.s32 s0, s6  }
0xd: {  	s30 =	sshll.u32 s5, $0x10;
	s5 =	sadd.s32 $0x100, s1;
	s7 =	sand.u32 $0x700, s7  }
0xe: {  	v2 =	vlaneseq.u32;
	s6 =	sadd.s32 $0x200, s1;
	s4 =	ssub.s32 s4, s8;
	s0 =	sadd.s32 s7, s0  }
0xf: {  	vm0 =	vmmov $0xffff;
	v1 =	vshrl.u32 v2, $0x3;
	s8 =	sadd.s32 s2, s30;
	s31 =	smax.u32 s4, $0x1;
	[dreg:$0x4] =	wrdreg s0  }
0x10: {  	v0 =	vand.u32 $0x7, v2;
	v2 =	vor.u32 $0x8, v2;
	v1 =	vmul.u32 $0x8, v1;
	s7 =	sadd.s32 $0x300, s1;
	s4 =	simm.s32 $0x6;
	[dreg:$0x5] =	wrdreg s31  }
.LBB2_1:
0x11: {  	[dreg:$0x6] =	wrdreg s10  }
0x12: {  	s0 =	rddreg [dreg:$0x4];
	s2 =	simm.s32 $0x80;
	s17 =	simm.s32 $0x9  }
0x13: {  	[tilespmem:s3], [sflag:$0x9] =	stream.strided.gather [hbm4b:s0+s2], $0x200, s11, s2, $0x38;
	[tilespmem:$0x10200] =	vst v63  }
0x14: {  	_ =	swait.ge [sflag:s17], $0x200  }
0x15: {  	[sflag:s17] =	ssyncset.done $0x0  }
0x16: {  	[sflag:s17] =	ssyncadd.s32 $0xFFFFFE00  }
0x17: {  	v3 =	vld [tilespmem:$0x0];
	_ =	sdelay $0x4  }
0x18: {  	v4 =	vshll.u32 v3, $0x3  }
0x19: {  	v3 =	vand.u32 $0x7, v3;
	v4 =	vand.u32 $0xFFFFFFC0, v4  }
0x1a: {  	v3 =	vor.u32 v3, v4  }
0x1b: {  	v4 =	vperm.xlane v3, v0;
	_ =	sdelay $0x1  }
0x1c: {  	v4 =	vadd.s32 v1, v4;
	_ =	sdelay $0x4  }
0x1d: {  	[tilespmem:s11], [sflag:$0x1] =	stream.indirect_vreg.gather [hbm4b:s1+s3], $0x80, v4, vm0, $0xb8;
	[tilespmem:$0x10200] =	vst v63  }
0x1e: {  	s18 =	simm.s32 $0xA00;
	v3 =	vperm.xlane v3, v2  }
0x1f: {  	[tilespmem:s18], [sflag:$0x1] =	stream.indirect_vreg.gather [hbm4b:s5+s3], $0x80, v4, vm0, $0xb8;
	[tilespmem:$0x10200] =	vst v63  }
0x20: {  	s19 =	simm.s32 $0x1200;
	v3 =	vadd.s32 v1, v3  }
0x21: {  	[tilespmem:s19], [sflag:$0x1] =	stream.indirect_vreg.gather [hbm4b:s6+s3], $0x80, v4, vm0, $0xb8;
	[tilespmem:$0x10200] =	vst v63  }
0x22: {  	s30 =	simm.s32 $0x1A00  }
0x23: {  	[tilespmem:s30], [sflag:$0x1] =	stream.indirect_vreg.gather [hbm4b:s7+s3], $0x80, v4, vm0, $0xb8;
	[tilespmem:$0x10200] =	vst v63  }
0x24: {  	s31 =	simm.s32 $0x2200  }
0x25: {  	[tilespmem:s31], [sflag:$0x1] =	stream.indirect_vreg.gather [hbm4b:s1+s3], $0x80, v3, vm0, $0xb8;
	[tilespmem:$0x10200] =	vst v63  }
0x26: {  	s2 =	simm.s32 $0x2A00  }
0x27: {  	[tilespmem:s2], [sflag:$0x1] =	stream.indirect_vreg.gather [hbm4b:s5+s3], $0x80, v3, vm0, $0xb8;
	[tilespmem:$0x10200] =	vst v63  }
0x28: {  	s10 =	simm.s32 $0x3200  }
0x29: {  	[tilespmem:s10], [sflag:$0x1] =	stream.indirect_vreg.gather [hbm4b:s6+s3], $0x80, v3, vm0, $0xb8;
	[tilespmem:$0x10200] =	vst v63  }
0x2a: {  	s12 =	simm.s32 $0x3A00  }
0x2b: {  	[tilespmem:s12], [sflag:$0x1] =	stream.indirect_vreg.gather [hbm4b:s7+s3], $0x80, v3, vm0, $0xb8;
	[tilespmem:$0x10200] =	vst v63  }
0x2c: {  	v3 =	vld [tilespmem:$0x10];
	_ =	sdelay $0x4  }
0x2d: {  	v63 =	vshll.u32 v3, $0x3  }
0x2e: {  	v3 =	vand.u32 $0x7, v3;
	v4 =	vand.u32 $0xFFFFFFC0, v63  }
0x2f: {  	v3 =	vor.u32 v3, v4  }
0x30: {  	v4 =	vperm.xlane v3, v0;
	_ =	sdelay $0x1  }
0x31: {  	v4 =	vadd.s32 v1, v4;
	_ =	sdelay $0x4  }
0x32: {  	[tilespmem:s20], [sflag:$0x2] =	stream.indirect_vreg.gather [hbm4b:s1+s3], $0x80, v4, vm0, $0xb8;
	[tilespmem:$0x10200] =	vst v63  }
0x33: {  	s13 =	simm.s32 $0x4A00;
	v3 =	vperm.xlane v3, v2  }
0x34: {  	[tilespmem:s13], [sflag:$0x2] =	stream.indirect_vreg.gather [hbm4b:s5+s3], $0x80, v4, vm0, $0xb8;
	[tilespmem:$0x10200] =	vst v63  }
0x35: {  	s14 =	simm.s32 $0x5200;
	v3 =	vadd.s32 v1, v3  }
0x36: {  	[tilespmem:s14], [sflag:$0x2] =	stream.indirect_vreg.gather [hbm4b:s6+s3], $0x80, v4, vm0, $0xb8;
	[tilespmem:$0x10200] =	vst v63  }
0x37: {  	s17 =	simm.s32 $0x5A00  }
0x38: {  	[tilespmem:s17], [sflag:$0x2] =	stream.indirect_vreg.gather [hbm4b:s7+s3], $0x80, v4, vm0, $0xb8;
	[tilespmem:$0x10200] =	vst v63  }
0x39: {  	s18 =	simm.s32 $0x6200  }
0x3a: {  	[tilespmem:s18], [sflag:$0x2] =	stream.indirect_vreg.gather [hbm4b:s1+s3], $0x80, v3, vm0, $0xb8;
	[tilespmem:$0x10200] =	vst v63  }
0x3b: {  	s19 =	simm.s32 $0x6A00  }
0x3c: {  	[tilespmem:s19], [sflag:$0x2] =	stream.indirect_vreg.gather [hbm4b:s5+s3], $0x80, v3, vm0, $0xb8;
	[tilespmem:$0x10200] =	vst v63  }
0x3d: {  	s30 =	simm.s32 $0x7200  }
0x3e: {  	[tilespmem:s30], [sflag:$0x2] =	stream.indirect_vreg.gather [hbm4b:s6+s3], $0x80, v3, vm0, $0xb8;
	[tilespmem:$0x10200] =	vst v63  }
0x3f: {  	s31 =	simm.s32 $0x7A00;
	s12 =	simm.s32 $0x0  }
0x40: {  	[tilespmem:s31], [sflag:$0x2] =	stream.indirect_vreg.gather [hbm4b:s7+s3], $0x80, v3, vm0, $0xb8;
	[tilespmem:$0x10200] =	vst v63  }
.LBB2_2:
0x41: {  	p0 =	seq.s32 s12, $0x0  }
0x42: {  	s0 =	sshll.u32 s12, $0x2;
	s2 =	simm.s32 @!p0 $0x7  }
0x43: {  	s31 =	sor.u32 $0x2, s0;
	_ =	swait.ge @!p0 [sflag:s2], $0x4000  }
0x44: {  	s10 =	sshll.u32 s31, $0x4;
	[sflag:s2] =	ssyncset.done @!p0 $0x0  }
0x45: {  	s10 =	sand.u32 $0x3FFFFFF0, s10;
	[sflag:s2] =	ssyncadd.s32 @!p0 $0xFFFFC000  }
0x46: {  	v3 =	vld [tilespmem:s10+$0x0];
	_ =	sdelay $0x4  }
0x47: {  	v4 =	vshll.u32 v3, $0x3  }
0x48: {  	v3 =	vand.u32 $0x7, v3;
	v4 =	vand.u32 $0xFFFFFFC0, v4  }
0x49: {  	v3 =	vor.u32 v3, v4  }
0x4a: {  	v4 =	vperm.xlane v3, v0;
	_ =	sdelay $0x1  }
0x4b: {  	v4 =	vadd.s32 v1, v4;
	_ =	sdelay $0x3  }
0x4c: {  	s2 =	simm.s32 $0x0  }
0x4d: {  	[tilespmem:s29], [sflag:$0x3] =	stream.indirect_vreg.gather [hbm4b:s1+s2], $0x80, v4, vm0, $0xb8;
	[tilespmem:$0x10200] =	vst v63  }
0x4e: {  	s13 =	simm.s32 $0x8A00;
	v3 =	vperm.xlane v3, v2  }
0x4f: {  	[tilespmem:s13], [sflag:$0x3] =	stream.indirect_vreg.gather [hbm4b:s5+s2], $0x80, v4, vm0, $0xb8;
	[tilespmem:$0x10200] =	vst v63  }
0x50: {  	s14 =	simm.s32 $0x9200;
	v3 =	vadd.s32 v1, v3  }
0x51: {  	[tilespmem:s14], [sflag:$0x3] =	stream.indirect_vreg.gather [hbm4b:s6+s2], $0x80, v4, vm0, $0xb8;
	[tilespmem:$0x10200] =	vst v63  }
0x52: {  	s17 =	simm.s32 $0x9A00  }
0x53: {  	[tilespmem:s17], [sflag:$0x3] =	stream.indirect_vreg.gather [hbm4b:s7+s2], $0x80, v4, vm0, $0xb8;
	[tilespmem:$0x10200] =	vst v63  }
0x54: {  	s18 =	simm.s32 $0xA200  }
0x55: {  	[tilespmem:s18], [sflag:$0x3] =	stream.indirect_vreg.gather [hbm4b:s1+s2], $0x80, v3, vm0, $0xb8;
	[tilespmem:$0x10200] =	vst v63  }
0x56: {  	s19 =	simm.s32 $0xAA00  }
0x57: {  	[tilespmem:s19], [sflag:$0x3] =	stream.indirect_vreg.gather [hbm4b:s5+s2], $0x80, v3, vm0, $0xb8;
	[tilespmem:$0x10200] =	vst v63  }
0x58: {  	s13 =	simm.s32 $0xB200;
	s17 =	simm.s32 $0x0  }
0x59: {  	[tilespmem:s13], [sflag:$0x3] =	stream.indirect_vreg.gather [hbm4b:s6+s2], $0x80, v3, vm0, $0xb8;
	[tilespmem:$0x10200] =	vst v63  }
0x5a: {  	s14 =	simm.s32 $0xBA00;
	s10 =	sand.u32 $0x2000, s17  }
0x5b: {  	[tilespmem:s14], [sflag:$0x3] =	stream.indirect_vreg.gather [hbm4b:s7+s2], $0x80, v3, vm0, $0xb8;
	[tilespmem:$0x10200] =	vst v63  }
0x5c: {  	s13 =	simm.s32 $0x0;
	s2 =	sand.u32 $0x1C00, s2;
	_ =	swait.ge [sflag:s15], $0x4000  }
0x5d: {  	s13 =	sand.u32 $0x380, s13;
	s2 =	sor.u32 s2, s10;
	[sflag:s15] =	ssyncset.done $0x0  }
0x5e: {  	s30 =	sor.u32 s2, s13;
	[sflag:s15] =	ssyncadd.s32 $0xFFFFC000  }
0x5f: {  	v3 =	vld [tilespmem:s30+$0x270]  }
0x60: {  	v4 =	vld [tilespmem:s30+$0x200]  }
0x61: {  	v5 =	vld [tilespmem:s30+$0x210]  }
0x62: {  	v6 =	vld [tilespmem:s30+$0x220]  }
0x63: {  	s18 =	simm.s32 $0x80;
	s10 =	simm.s32 $0x400;
	v8 =	vld [tilespmem:s30+$0x230]  }
0x64: {  	s14 =	simm.s32 $0x10;
	s2 =	sand.u32 $0x2000, s18;
	s19 =	sand.u32 $0x1C00, s10;
	v10 =	vld [tilespmem:s30+$0x240];
	v3 =	vmul.f32 $3.200000000e+01, v3  }
0x65: {  	s14 =	sand.u32 $0x380, s14;
	s2 =	sor.u32 s19, s2;
	v7 =	vld [tilespmem:s30+$0x250];
	v4 =	vmul.f32 $3.200000000e+01, v4  }
0x66: {  	s2 =	sor.u32 s2, s14;
	v9 =	vmul.f32 $3.200000000e+01, v5;
	v5 =	vld [tilespmem:s30+$0x260];
	[tilespmem:s30+$0x270] =	vst v3  }
0x67: {  	v11 =	vmul.f32 $3.200000000e+01, v6;
	v3 =	vld [tilespmem:s2+$0x270];
	[tilespmem:s30+$0x200] =	vst v4  }
0x68: {  	v4 =	vld [tilespmem:s2+$0x200];
	[tilespmem:s30+$0x210] =	vst v9;
	v9 =	vmul.f32 $3.200000000e+01, v8  }
0x69: {  	s13 =	simm.s32 $0x8;
	v6 =	vld [tilespmem:s2+$0x210];
	[tilespmem:s30+$0x220] =	vst v11;
	v8 =	vmul.f32 $3.200000000e+01, v10  }
.LBB2_3:
0x6a: {  	s13 =	sadd.s32 $0x8, s13;
	v10 =	vld [tilespmem:s2+$0x220];
	[tilespmem:s30+$0x230] =	vst v9;
	v7 =	vmul.f32 $3.200000000e+01, v7  }
0x6b: {  	s10 =	sadd.s32 $0x400, s10;
	s14 =	sshll.u32 s13, $0x4;
	p1 =	slt.u32 s13, $0x3F8;
	v9 =	vld [tilespmem:s2+$0x230];
	[tilespmem:s30+$0x240] =	vst v8;
	v5 =	vmul.f32 $3.200000000e+01, v5  }
0x6c: {  	s17 =	sand.u32 $0x1C00, s10;
	s18 =	sshll.u32 s13, $0x1;
	s14 =	sand.u32 $0x2000, s14;
	v8 =	vld [tilespmem:s2+$0x240];
	v3 =	vmul.f32 $3.200000000e+01, v3;
	[tilespmem:s30+$0x250] =	vst v7  }
.Ltmp0:
0x6d: {  	s18 =	sand.u32 $0x380, s18;
	s14 =	sor.u32 s17, s14;
	v4 =	vmul.f32 $3.200000000e+01, v4;
	v7 =	vld [tilespmem:s2+$0x250];
	[tilespmem:s30+$0x260] =	vst v5;
	(pc) =	sbr.rel @p1 .LBB2_3-.Ltmp0, $4  }
0x6e: {  	s30 =	smov.u32 s2;
	v6 =	vmul.f32 $3.200000000e+01, v6;
	v5 =	vld [tilespmem:s2+$0x260];
	[tilespmem:s2+$0x270] =	vst v3;
	s2 =	sor.u32 s14, s18  }
0x6f: {  	v3 =	vld [tilespmem:s2+$0x270];
	[tilespmem:s30+$0x200] =	vst v4;
	v10 =	vmul.f32 $3.200000000e+01, v10  }
0x70: {  	v4 =	vld [tilespmem:s2+$0x200];
	[tilespmem:s30+$0x210] =	vst v6;
	v9 =	vmul.f32 $3.200000000e+01, v9  }
0x71: {  	v6 =	vld [tilespmem:s2+$0x210];
	[tilespmem:s30+$0x220] =	vst v10;
	v8 =	vmul.f32 $3.200000000e+01, v8  }
0x72: {  	v10 =	vld [tilespmem:s2+$0x220];
	[tilespmem:s30+$0x230] =	vst v9;
	v7 =	vmul.f32 $3.200000000e+01, v7  }
0x73: {  	v9 =	vld [tilespmem:s2+$0x230];
	[tilespmem:s30+$0x240] =	vst v8;
	v5 =	vmul.f32 $3.200000000e+01, v5  }
0x74: {  	v8 =	vld [tilespmem:s2+$0x240];
	v3 =	vmul.f32 $3.200000000e+01, v3;
	[tilespmem:s30+$0x250] =	vst v7  }
0x75: {  	v7 =	vld [tilespmem:s2+$0x250];
	v4 =	vmul.f32 $3.200000000e+01, v4;
	[tilespmem:s30+$0x260] =	vst v5  }
0x76: {  	v5 =	vmul.f32 $3.200000000e+01, v6;
	v6 =	vld [tilespmem:s2+$0x260];
	[tilespmem:s2+$0x270] =	vst v3  }
0x77: {  	[tilespmem:s2+$0x200] =	vst v4;
	v3 =	vmul.f32 $3.200000000e+01, v10  }
0x78: {  	v4 =	vmul.f32 $3.200000000e+01, v9;
	[tilespmem:s2+$0x210] =	vst v5  }
0x79: {  	[tilespmem:s2+$0x220] =	vst v3;
	v3 =	vmul.f32 $3.200000000e+01, v8  }
0x7a: {  	[tilespmem:s2+$0x230] =	vst v4;
	v4 =	vmul.f32 $3.200000000e+01, v7  }
0x7b: {  	[tilespmem:s2+$0x240] =	vst v3;
	v3 =	vmul.f32 $3.200000000e+01, v6  }
0x7c: {  	s10 =	sshll.u32 s12, $0xD;
	[tilespmem:s2+$0x250] =	vst v4  }
0x7d: {  	[tilespmem:s2+$0x260] =	vst v3;
	s2 =	sadd.s32 s10, s8;
	s10 =	simm.s32 @!p0 $0x8  }
0x7e: {  	[hbm4b:s2+s3] =	stream.linear.scatter [tilespmem:s11], [sflag:$0x5], $0x4000, $0x38;
	[tilespmem:$0x10200] =	vst v63  }
0x7f: {  	s30 =	sor.u32 $0x3, s0;
	_ =	swait.ge @!p0 [sflag:s10], $0x4000  }
0x80: {  	s0 =	sshll.u32 s30, $0x4;
	[sflag:s10] =	ssyncset.done @!p0 $0x0  }
0x81: {  	s0 =	sand.u32 $0x3FFFFFF0, s0;
	[sflag:s10] =	ssyncadd.s32 @!p0 $0xFFFFC000  }
0x82: {  	v3 =	vld [tilespmem:s0+$0x0];
	_ =	sdelay $0x4  }
0x83: {  	v4 =	vshll.u32 v3, $0x3  }
0x84: {  	v3 =	vand.u32 $0x7, v3;
	v4 =	vand.u32 $0xFFFFFFC0, v4  }
0x85: {  	v3 =	vor.u32 v3, v4  }
0x86: {  	v4 =	vperm.xlane v3, v0;
	_ =	sdelay $0x1  }
0x87: {  	v4 =	vadd.s32 v1, v4;
	_ =	sdelay $0x3  }
0x88: {  	s19 =	simm.s32 $0x0  }
0x89: {  	[tilespmem:s16], [sflag:$0x4] =	stream.indirect_vreg.gather [hbm4b:s1+s19], $0x80, v4, vm0, $0xb8;
	[tilespmem:$0x10200] =	vst v63  }
0x8a: {  	s13 =	simm.s32 $0xCA00;
	v3 =	vperm.xlane v3, v2  }
0x8b: {  	[tilespmem:s13], [sflag:$0x4] =	stream.indirect_vreg.gather [hbm4b:s5+s19], $0x80, v4, vm0, $0xb8;
	[tilespmem:$0x10200] =	vst v63  }
0x8c: {  	s14 =	simm.s32 $0xD200;
	v3 =	vadd.s32 v1, v3  }
0x8d: {  	[tilespmem:s14], [sflag:$0x4] =	stream.indirect_vreg.gather [hbm4b:s6+s19], $0x80, v4, vm0, $0xb8;
	[tilespmem:$0x10200] =	vst v63  }
0x8e: {  	s17 =	simm.s32 $0xDA00  }
0x8f: {  	[tilespmem:s17], [sflag:$0x4] =	stream.indirect_vreg.gather [hbm4b:s7+s19], $0x80, v4, vm0, $0xb8;
	[tilespmem:$0x10200] =	vst v63  }
0x90: {  	_ = 	snop  }
0x91: {  	[tilespmem:s21], [sflag:$0x4] =	stream.indirect_vreg.gather [hbm4b:s1+s19], $0x80, v3, vm0, $0xb8;
	[tilespmem:$0x10200] =	vst v63  }
0x92: {  	_ = 	snop  }
0x93: {  	[tilespmem:s22], [sflag:$0x4] =	stream.indirect_vreg.gather [hbm4b:s5+s19], $0x80, v3, vm0, $0xb8;
	[tilespmem:$0x10200] =	vst v63  }
0x94: {  	s18 =	simm.s32 $0x0  }
0x95: {  	[tilespmem:s23], [sflag:$0x4] =	stream.indirect_vreg.gather [hbm4b:s6+s19], $0x80, v3, vm0, $0xb8;
	[tilespmem:$0x10200] =	vst v63  }
0x96: {  	s10 =	sand.u32 $0x2000, s18  }
0x97: {  	[tilespmem:s24], [sflag:$0x4] =	stream.indirect_vreg.gather [hbm4b:s7+s19], $0x80, v3, vm0, $0xb8;
	[tilespmem:$0x10200] =	vst v63  }
0x98: {  	s0 =	sand.u32 $0x1C00, s19;
	s13 =	simm.s32 $0x0;
	_ =	swait.ge [sflag:s25], $0x4000  }
0x99: {  	s0 =	sor.u32 s0, s10;
	s13 =	sand.u32 $0x380, s13;
	[sflag:s25] =	ssyncset.done $0x0  }
0x9a: {  	s10 =	sor.u32 s0, s13;
	[sflag:s25] =	ssyncadd.s32 $0xFFFFC000  }
0x9b: {  	v3 =	vld [tilespmem:s10+$0x4270]  }
0x9c: {  	v4 =	vld [tilespmem:s10+$0x4200]  }
0x9d: {  	v5 =	vld [tilespmem:s10+$0x4210]  }
0x9e: {  	v6 =	vld [tilespmem:s10+$0x4220]  }
0x9f: {  	s13 =	simm.s32 $0x400;
	s19 =	simm.s32 $0x80;
	v8 =	vld [tilespmem:s10+$0x4230]  }
0xa0: {  	s14 =	sand.u32 $0x1C00, s13;
	s17 =	simm.s32 $0x10;
	s0 =	sand.u32 $0x2000, s19;
	v10 =	vld [tilespmem:s10+$0x4240];
	v3 =	vmul.f32 $3.200000000e+01, v3  }
0xa1: {  	s17 =	sand.u32 $0x380, s17;
	s0 =	sor.u32 s14, s0;
	v7 =	vld [tilespmem:s10+$0x4250];
	v4 =	vmul.f32 $3.200000000e+01, v4  }
0xa2: {  	s0 =	sor.u32 s0, s17;
	v9 =	vmul.f32 $3.200000000e+01, v5;
	v5 =	vld [tilespmem:s10+$0x4260];
	[tilespmem:s10+$0x4270] =	vst v3  }
0xa3: {  	v11 =	vmul.f32 $3.200000000e+01, v6;
	v3 =	vld [tilespmem:s0+$0x4270];
	[tilespmem:s10+$0x4200] =	vst v4  }
0xa4: {  	v4 =	vld [tilespmem:s0+$0x4200];
	[tilespmem:s10+$0x4210] =	vst v9;
	v9 =	vmul.f32 $3.200000000e+01, v8  }
0xa5: {  	s14 =	simm.s32 $0x8;
	v6 =	vld [tilespmem:s0+$0x4210];
	[tilespmem:s10+$0x4220] =	vst v11;
	v8 =	vmul.f32 $3.200000000e+01, v10  }
.LBB2_5:
0xa6: {  	s14 =	sadd.s32 $0x8, s14;
	v10 =	vld [tilespmem:s0+$0x4220];
	[tilespmem:s10+$0x4230] =	vst v9;
	v7 =	vmul.f32 $3.200000000e+01, v7  }
0xa7: {  	s13 =	sadd.s32 $0x400, s13;
	s17 =	sshll.u32 s14, $0x4;
	p0 =	slt.u32 s14, $0x3F8;
	v9 =	vld [tilespmem:s0+$0x4230];
	[tilespmem:s10+$0x4240] =	vst v8;
	v5 =	vmul.f32 $3.200000000e+01, v5  }
0xa8: {  	s18 =	sand.u32 $0x1C00, s13;
	s19 =	sshll.u32 s14, $0x1;
	s17 =	sand.u32 $0x2000, s17;
	v8 =	vld [tilespmem:s0+$0x4240];
	v3 =	vmul.f32 $3.200000000e+01, v3;
	[tilespmem:s10+$0x4250] =	vst v7  }
.Ltmp1:
0xa9: {  	s19 =	sand.u32 $0x380, s19;
	s17 =	sor.u32 s18, s17;
	v4 =	vmul.f32 $3.200000000e+01, v4;
	v7 =	vld [tilespmem:s0+$0x4250];
	[tilespmem:s10+$0x4260] =	vst v5;
	(pc) =	sbr.rel @p0 .LBB2_5-.Ltmp1, $4  }
0xaa: {  	s10 =	smov.u32 s0;
	v6 =	vmul.f32 $3.200000000e+01, v6;
	v5 =	vld [tilespmem:s0+$0x4260];
	[tilespmem:s0+$0x4270] =	vst v3;
	s0 =	sor.u32 s17, s19  }
0xab: {  	v3 =	vld [tilespmem:s0+$0x4270];
	[tilespmem:s10+$0x4200] =	vst v4;
	v10 =	vmul.f32 $3.200000000e+01, v10  }
0xac: {  	v4 =	vld [tilespmem:s0+$0x4200];
	[tilespmem:s10+$0x4210] =	vst v6;
	v9 =	vmul.f32 $3.200000000e+01, v9  }
0xad: {  	v6 =	vld [tilespmem:s0+$0x4210];
	[tilespmem:s10+$0x4220] =	vst v10;
	v8 =	vmul.f32 $3.200000000e+01, v8  }
0xae: {  	v10 =	vld [tilespmem:s0+$0x4220];
	[tilespmem:s10+$0x4230] =	vst v9;
	v7 =	vmul.f32 $3.200000000e+01, v7  }
0xaf: {  	v9 =	vld [tilespmem:s0+$0x4230];
	[tilespmem:s10+$0x4240] =	vst v8;
	v5 =	vmul.f32 $3.200000000e+01, v5  }
0xb0: {  	v8 =	vld [tilespmem:s0+$0x4240];
	v3 =	vmul.f32 $3.200000000e+01, v3;
	[tilespmem:s10+$0x4250] =	vst v7  }
0xb1: {  	v7 =	vld [tilespmem:s0+$0x4250];
	v4 =	vmul.f32 $3.200000000e+01, v4;
	[tilespmem:s10+$0x4260] =	vst v5  }
0xb2: {  	v5 =	vmul.f32 $3.200000000e+01, v6;
	v6 =	vld [tilespmem:s0+$0x4260];
	[tilespmem:s0+$0x4270] =	vst v3  }
0xb3: {  	[tilespmem:s0+$0x4200] =	vst v4;
	v3 =	vmul.f32 $3.200000000e+01, v10  }
0xb4: {  	v4 =	vmul.f32 $3.200000000e+01, v9;
	[tilespmem:s0+$0x4210] =	vst v5  }
0xb5: {  	[tilespmem:s0+$0x4220] =	vst v3;
	v3 =	vmul.f32 $3.200000000e+01, v8  }
0xb6: {  	[tilespmem:s0+$0x4230] =	vst v4;
	v4 =	vmul.f32 $3.200000000e+01, v7  }
0xb7: {  	[tilespmem:s0+$0x4240] =	vst v3;
	v3 =	vmul.f32 $3.200000000e+01, v6  }
0xb8: {  	[tilespmem:s0+$0x4250] =	vst v4  }
0xb9: {  	s14 =	sadd.s32 $0x800, s2;
	[tilespmem:s0+$0x4260] =	vst v3  }
0xba: {  	[hbm4b:s14+s3] =	stream.linear.scatter [tilespmem:s20], [sflag:$0x6], $0x4000, $0x38;
	[tilespmem:$0x10200] =	vst v63  }
0xbb: {  	p0 =	seq.s32 s12, $0x7;
	_ =	swait.ge [sflag:s26], $0x4000  }
0xbc: {  	s0 =	sshll.u32 @!p0 s12, $0x6;
	[sflag:s26] =	ssyncset.done $0x0  }
0xbd: {  	s0 =	sand.u32 @!p0 $0x3FFFFFC0, s0;
	[sflag:s26] =	ssyncadd.s32 $0xFFFFC000  }
0xbe: {  	v3 =	vld @!p0 [tilespmem:s0+$0x40];
	_ =	sdelay $0x4  }
0xbf: {  	v4 =	vshll.u32 @!p0 v3, $0x3  }
0xc0: {  	v5 =	vlaneseq.u32 @!p0;
	v3 =	vand.u32 @!p0 $0x7, v3;
	v4 =	vand.u32 @!p0 $0xFFFFFFC0, v4  }
0xc1: {  	v6 =	vshrl.u32 @!p0 v5, $0x3;
	v3 =	vor.u32 @!p0 v3, v4;
	v4 =	vand.u32 @!p0 $0x7, v5  }
0xc2: {  	v6 =	vmul.u32 @!p0 $0x8, v6;
	v4 =	vperm.xlane @!p0 v3, v4;
	_ =	sdelay $0x1  }
0xc3: {  	v4 =	vadd.s32 @!p0 v6, v4;
	_ =	sdelay $0x3  }
0xc4: {  	vm1 =	vmmov @!p0 $0xffff;
	s2 =	simm.s32 @!p0 $0x0;
	s10 =	simm.s32 @!p0 $0x200  }
0xc5: {  	v5 =	vor.u32 @!p0 $0x8, v5;
	[tilespmem:s10], [sflag:$0x1] =	stream.indirect_vreg.gather @!p0 [hbm4b:s1+s2], $0x80, v4, vm1, $0xb8;
	[tilespmem:$0x10200] =	vst v63  }
0xc6: {  	v3 =	vperm.xlane @!p0 v3, v5;
	s10 =	simm.s32 @!p0 $0xA00  }
0xc7: {  	[tilespmem:s10], [sflag:$0x1] =	stream.indirect_vreg.gather @!p0 [hbm4b:s5+s2], $0x80, v4, vm1, $0xb8;
	[tilespmem:$0x10200] =	vst v63  }
0xc8: {  	v3 =	vadd.s32 @!p0 v6, v3;
	s10 =	simm.s32 @!p0 $0x1200  }
0xc9: {  	[tilespmem:s10], [sflag:$0x1] =	stream.indirect_vreg.gather @!p0 [hbm4b:s6+s2], $0x80, v4, vm1, $0xb8;
	[tilespmem:$0x10200] =	vst v63  }
0xca: {  	s10 =	simm.s32 @!p0 $0x1A00  }
0xcb: {  	[tilespmem:s10], [sflag:$0x1] =	stream.indirect_vreg.gather @!p0 [hbm4b:s7+s2], $0x80, v4, vm1, $0xb8;
	[tilespmem:$0x10200] =	vst v63  }
0xcc: {  	s10 =	simm.s32 @!p0 $0x2200  }
0xcd: {  	[tilespmem:s10], [sflag:$0x1] =	stream.indirect_vreg.gather @!p0 [hbm4b:s1+s2], $0x80, v3, vm1, $0xb8;
	[tilespmem:$0x10200] =	vst v63  }
0xce: {  	s10 =	simm.s32 @!p0 $0x2A00  }
0xcf: {  	[tilespmem:s10], [sflag:$0x1] =	stream.indirect_vreg.gather @!p0 [hbm4b:s5+s2], $0x80, v3, vm1, $0xb8;
	[tilespmem:$0x10200] =	vst v63  }
0xd0: {  	s17 =	simm.s32 $0x0;
	s10 =	simm.s32 @!p0 $0x3200  }
0xd1: {  	[tilespmem:s10], [sflag:$0x1] =	stream.indirect_vreg.gather @!p0 [hbm4b:s6+s2], $0x80, v3, vm1, $0xb8;
	[tilespmem:$0x10200] =	vst v63  }
0xd2: {  	s18 =	simm.s32 $0x0;
	s13 =	simm.s32 $0x0;
	s10 =	simm.s32 @!p0 $0x3A00  }
0xd3: {  	[tilespmem:s10], [sflag:$0x1] =	stream.indirect_vreg.gather @!p0 [hbm4b:s7+s2], $0x80, v3, vm1, $0xb8;
	[tilespmem:$0x10200] =	vst v63  }
0xd4: {  	s10 =	sand.u32 $0x2000, s18;
	s2 =	sand.u32 $0x1C00, s17;
	_ =	swait.ge [sflag:s28], $0x4000  }
0xd5: {  	s13 =	sand.u32 $0x380, s13;
	s2 =	sor.u32 s2, s10;
	[sflag:s28] =	ssyncset.done $0x0  }
0xd6: {  	s10 =	sor.u32 s2, s13;
	[sflag:s28] =	ssyncadd.s32 $0xFFFFC000  }
0xd7: {  	v3 =	vld [tilespmem:s10+$0x8270]  }
0xd8: {  	v4 =	vld [tilespmem:s10+$0x8200]  }
0xd9: {  	v5 =	vld [tilespmem:s10+$0x8210]  }
0xda: {  	v6 =	vld [tilespmem:s10+$0x8220]  }
0xdb: {  	s19 =	simm.s32 $0x80;
	s13 =	simm.s32 $0x400;
	v8 =	vld [tilespmem:s10+$0x8230]  }
0xdc: {  	s17 =	simm.s32 $0x10;
	s2 =	sand.u32 $0x2000, s19;
	s14 =	sand.u32 $0x1C00, s13;
	v10 =	vld [tilespmem:s10+$0x8240];
	v3 =	vmul.f32 $3.200000000e+01, v3  }
0xdd: {  	s17 =	sand.u32 $0x380, s17;
	s2 =	sor.u32 s14, s2;
	v7 =	vld [tilespmem:s10+$0x8250];
	v4 =	vmul.f32 $3.200000000e+01, v4  }
0xde: {  	s2 =	sor.u32 s2, s17;
	v9 =	vmul.f32 $3.200000000e+01, v5;
	v5 =	vld [tilespmem:s10+$0x8260];
	[tilespmem:s10+$0x8270] =	vst v3  }
0xdf: {  	v11 =	vmul.f32 $3.200000000e+01, v6;
	v3 =	vld [tilespmem:s2+$0x8270];
	[tilespmem:s10+$0x8200] =	vst v4  }
0xe0: {  	v4 =	vld [tilespmem:s2+$0x8200];
	[tilespmem:s10+$0x8210] =	vst v9;
	v9 =	vmul.f32 $3.200000000e+01, v8  }
0xe1: {  	s14 =	simm.s32 $0x8;
	v6 =	vld [tilespmem:s2+$0x8210];
	[tilespmem:s10+$0x8220] =	vst v11;
	v8 =	vmul.f32 $3.200000000e+01, v10  }
.LBB2_7:
0xe2: {  	s14 =	sadd.s32 $0x8, s14;
	v10 =	vld [tilespmem:s2+$0x8220];
	[tilespmem:s10+$0x8230] =	vst v9;
	v7 =	vmul.f32 $3.200000000e+01, v7  }
0xe3: {  	s13 =	sadd.s32 $0x400, s13;
	s17 =	sshll.u32 s14, $0x4;
	p1 =	slt.u32 s14, $0x3F8;
	v9 =	vld [tilespmem:s2+$0x8230];
	[tilespmem:s10+$0x8240] =	vst v8;
	v5 =	vmul.f32 $3.200000000e+01, v5  }
0xe4: {  	s18 =	sand.u32 $0x1C00, s13;
	s19 =	sshll.u32 s14, $0x1;
	s17 =	sand.u32 $0x2000, s17;
	v8 =	vld [tilespmem:s2+$0x8240];
	v3 =	vmul.f32 $3.200000000e+01, v3;
	[tilespmem:s10+$0x8250] =	vst v7  }
.Ltmp2:
0xe5: {  	s19 =	sand.u32 $0x380, s19;
	s17 =	sor.u32 s18, s17;
	v4 =	vmul.f32 $3.200000000e+01, v4;
	v7 =	vld [tilespmem:s2+$0x8250];
	[tilespmem:s10+$0x8260] =	vst v5;
	(pc) =	sbr.rel @p1 .LBB2_7-.Ltmp2, $4  }
0xe6: {  	s10 =	smov.u32 s2;
	v6 =	vmul.f32 $3.200000000e+01, v6;
	v5 =	vld [tilespmem:s2+$0x8260];
	[tilespmem:s2+$0x8270] =	vst v3;
	s2 =	sor.u32 s17, s19  }
0xe7: {  	v3 =	vld [tilespmem:s2+$0x8270];
	[tilespmem:s10+$0x8200] =	vst v4;
	v10 =	vmul.f32 $3.200000000e+01, v10  }
0xe8: {  	v4 =	vld [tilespmem:s2+$0x8200];
	[tilespmem:s10+$0x8210] =	vst v6;
	v9 =	vmul.f32 $3.200000000e+01, v9  }
0xe9: {  	v6 =	vld [tilespmem:s2+$0x8210];
	[tilespmem:s10+$0x8220] =	vst v10;
	v8 =	vmul.f32 $3.200000000e+01, v8  }
0xea: {  	v10 =	vld [tilespmem:s2+$0x8220];
	[tilespmem:s10+$0x8230] =	vst v9;
	v7 =	vmul.f32 $3.200000000e+01, v7  }
0xeb: {  	v9 =	vld [tilespmem:s2+$0x8230];
	[tilespmem:s10+$0x8240] =	vst v8;
	v5 =	vmul.f32 $3.200000000e+01, v5  }
0xec: {  	v8 =	vld [tilespmem:s2+$0x8240];
	v3 =	vmul.f32 $3.200000000e+01, v3;
	[tilespmem:s10+$0x8250] =	vst v7  }
0xed: {  	v7 =	vld [tilespmem:s2+$0x8250];
	v4 =	vmul.f32 $3.200000000e+01, v4;
	[tilespmem:s10+$0x8260] =	vst v5  }
0xee: {  	v5 =	vmul.f32 $3.200000000e+01, v6;
	v6 =	vld [tilespmem:s2+$0x8260];
	[tilespmem:s2+$0x8270] =	vst v3  }
0xef: {  	[tilespmem:s2+$0x8200] =	vst v4;
	v3 =	vmul.f32 $3.200000000e+01, v10  }
0xf0: {  	v4 =	vmul.f32 $3.200000000e+01, v9;
	[tilespmem:s2+$0x8210] =	vst v5  }
0xf1: {  	[tilespmem:s2+$0x8220] =	vst v3;
	v3 =	vmul.f32 $3.200000000e+01, v8  }
0xf2: {  	[tilespmem:s2+$0x8230] =	vst v4;
	v4 =	vmul.f32 $3.200000000e+01, v7  }
0xf3: {  	[tilespmem:s2+$0x8240] =	vst v3;
	v3 =	vmul.f32 $3.200000000e+01, v6  }
0xf4: {  	s13 =	sshll.u32 s31, $0xB;
	[tilespmem:s2+$0x8250] =	vst v4  }
0xf5: {  	s14 =	sadd.s32 s13, s8;
	[tilespmem:s2+$0x8260] =	vst v3  }
0xf6: {  	[hbm4b:s14+s3] =	stream.linear.scatter [tilespmem:s29], [sflag:$0x7], $0x4000, $0x38;
	[tilespmem:$0x10200] =	vst v63  }
0xf7: {  	_ =	swait.ge [sflag:s4], $0x4000  }
0xf8: {  	[sflag:s4] =	ssyncset.done $0x0  }
0xf9: {  	[sflag:s4] =	ssyncadd.s32 $0xFFFFC000  }
0xfa: {  	v3 =	vld @!p0 [tilespmem:s0+$0x50];
	_ =	sdelay $0x4  }
0xfb: {  	v4 =	vshll.u32 @!p0 v3, $0x3  }
0xfc: {  	v5 =	vlaneseq.u32 @!p0;
	v3 =	vand.u32 @!p0 $0x7, v3;
	v4 =	vand.u32 @!p0 $0xFFFFFFC0, v4  }
0xfd: {  	v6 =	vshrl.u32 @!p0 v5, $0x3;
	v3 =	vor.u32 @!p0 v3, v4;
	v4 =	vand.u32 @!p0 $0x7, v5  }
0xfe: {  	v6 =	vmul.u32 @!p0 $0x8, v6;
	v4 =	vperm.xlane @!p0 v3, v4;
	_ =	sdelay $0x1  }
0xff: {  	v4 =	vadd.s32 @!p0 v6, v4;
	_ =	sdelay $0x3  }
0x100: {  	s2 =	simm.s32 @!p0 $0x4200;
	s0 =	simm.s32 @!p0 $0x0  }
0x101: {  	v5 =	vor.u32 @!p0 $0x8, v5;
	[tilespmem:s2], [sflag:$0x2] =	stream.indirect_vreg.gather @!p0 [hbm4b:s1+s0], $0x80, v4, vm1, $0xb8;
	[tilespmem:$0x10200] =	vst v63  }
0x102: {  	v3 =	vperm.xlane @!p0 v3, v5;
	s2 =	simm.s32 @!p0 $0x4A00  }
0x103: {  	[tilespmem:s2], [sflag:$0x2] =	stream.indirect_vreg.gather @!p0 [hbm4b:s5+s0], $0x80, v4, vm1, $0xb8;
	[tilespmem:$0x10200] =	vst v63  }
0x104: {  	v3 =	vadd.s32 @!p0 v6, v3;
	s2 =	simm.s32 @!p0 $0x5200  }
0x105: {  	[tilespmem:s2], [sflag:$0x2] =	stream.indirect_vreg.gather @!p0 [hbm4b:s6+s0], $0x80, v4, vm1, $0xb8;
	[tilespmem:$0x10200] =	vst v63  }
0x106: {  	s2 =	simm.s32 @!p0 $0x5A00  }
0x107: {  	[tilespmem:s2], [sflag:$0x2] =	stream.indirect_vreg.gather @!p0 [hbm4b:s7+s0], $0x80, v4, vm1, $0xb8;
	[tilespmem:$0x10200] =	vst v63  }
0x108: {  	s2 =	simm.s32 @!p0 $0x6200  }
0x109: {  	[tilespmem:s2], [sflag:$0x2] =	stream.indirect_vreg.gather @!p0 [hbm4b:s1+s0], $0x80, v3, vm1, $0xb8;
	[tilespmem:$0x10200] =	vst v63  }
0x10a: {  	s2 =	simm.s32 @!p0 $0x6A00  }
0x10b: {  	[tilespmem:s2], [sflag:$0x2] =	stream.indirect_vreg.gather @!p0 [hbm4b:s5+s0], $0x80, v3, vm1, $0xb8;
	[tilespmem:$0x10200] =	vst v63  }
0x10c: {  	s17 =	simm.s32 $0x0;
	s2 =	simm.s32 @!p0 $0x7200  }
0x10d: {  	[tilespmem:s2], [sflag:$0x2] =	stream.indirect_vreg.gather @!p0 [hbm4b:s6+s0], $0x80, v3, vm1, $0xb8;
	[tilespmem:$0x10200] =	vst v63  }
0x10e: {  	s18 =	simm.s32 $0x0;
	s19 =	simm.s32 $0x0;
	s2 =	simm.s32 @!p0 $0x7A00  }
0x10f: {  	[tilespmem:s2], [sflag:$0x2] =	stream.indirect_vreg.gather @!p0 [hbm4b:s7+s0], $0x80, v3, vm1, $0xb8;
	[tilespmem:$0x10200] =	vst v63  }
0x110: {  	s2 =	sand.u32 $0x2000, s18;
	s0 =	sand.u32 $0x1C00, s17;
	_ =	swait.ge [sflag:s9], $0x4000  }
0x111: {  	s10 =	sand.u32 $0x380, s19;
	s0 =	sor.u32 s0, s2;
	[sflag:s9] =	ssyncset.done $0x0  }
0x112: {  	s2 =	sor.u32 s0, s10;
	[sflag:s9] =	ssyncadd.s32 $0xFFFFC000  }
0x113: {  	v3 =	vld [tilespmem:s2+$0xC270]  }
0x114: {  	v4 =	vld [tilespmem:s2+$0xC200]  }
0x115: {  	v5 =	vld [tilespmem:s2+$0xC210]  }
0x116: {  	v6 =	vld [tilespmem:s2+$0xC220]  }
0x117: {  	s31 =	simm.s32 $0x80;
	s10 =	simm.s32 $0x400;
	v8 =	vld [tilespmem:s2+$0xC230]  }
0x118: {  	s14 =	simm.s32 $0x10;
	s0 =	sand.u32 $0x2000, s31;
	s13 =	sand.u32 $0x1C00, s10;
	v10 =	vld [tilespmem:s2+$0xC240];
	v3 =	vmul.f32 $3.200000000e+01, v3  }
0x119: {  	s14 =	sand.u32 $0x380, s14;
	s0 =	sor.u32 s13, s0;
	v7 =	vld [tilespmem:s2+$0xC250];
	v4 =	vmul.f32 $3.200000000e+01, v4  }
0x11a: {  	s0 =	sor.u32 s0, s14;
	v9 =	vmul.f32 $3.200000000e+01, v5;
	v5 =	vld [tilespmem:s2+$0xC260];
	[tilespmem:s2+$0xC270] =	vst v3  }
0x11b: {  	v11 =	vmul.f32 $3.200000000e+01, v6;
	v3 =	vld [tilespmem:s0+$0xC270];
	[tilespmem:s2+$0xC200] =	vst v4  }
0x11c: {  	v4 =	vld [tilespmem:s0+$0xC200];
	[tilespmem:s2+$0xC210] =	vst v9;
	v9 =	vmul.f32 $3.200000000e+01, v8  }
0x11d: {  	s13 =	simm.s32 $0x8;
	v6 =	vld [tilespmem:s0+$0xC210];
	[tilespmem:s2+$0xC220] =	vst v11;
	v8 =	vmul.f32 $3.200000000e+01, v10  }
.LBB2_9:
0x11e: {  	s13 =	sadd.s32 $0x8, s13;
	v10 =	vld [tilespmem:s0+$0xC220];
	[tilespmem:s2+$0xC230] =	vst v9;
	v7 =	vmul.f32 $3.200000000e+01, v7  }
0x11f: {  	s10 =	sadd.s32 $0x400, s10;
	s14 =	sshll.u32 s13, $0x4;
	p0 =	slt.u32 s13, $0x3F8;
	v9 =	vld [tilespmem:s0+$0xC230];
	[tilespmem:s2+$0xC240] =	vst v8;
	v5 =	vmul.f32 $3.200000000e+01, v5  }
0x120: {  	s17 =	sand.u32 $0x1C00, s10;
	s18 =	sshll.u32 s13, $0x1;
	s14 =	sand.u32 $0x2000, s14;
	v8 =	vld [tilespmem:s0+$0xC240];
	v3 =	vmul.f32 $3.200000000e+01, v3;
	[tilespmem:s2+$0xC250] =	vst v7  }
.Ltmp3:
0x121: {  	s18 =	sand.u32 $0x380, s18;
	s14 =	sor.u32 s17, s14;
	v4 =	vmul.f32 $3.200000000e+01, v4;
	v7 =	vld [tilespmem:s0+$0xC250];
	[tilespmem:s2+$0xC260] =	vst v5;
	(pc) =	sbr.rel @p0 .LBB2_9-.Ltmp3, $4  }
0x122: {  	s2 =	smov.u32 s0;
	v6 =	vmul.f32 $3.200000000e+01, v6;
	v5 =	vld [tilespmem:s0+$0xC260];
	[tilespmem:s0+$0xC270] =	vst v3;
	s0 =	sor.u32 s14, s18  }
0x123: {  	v3 =	vld [tilespmem:s0+$0xC270];
	[tilespmem:s2+$0xC200] =	vst v4;
	v10 =	vmul.f32 $3.200000000e+01, v10  }
0x124: {  	v4 =	vld [tilespmem:s0+$0xC200];
	[tilespmem:s2+$0xC210] =	vst v6;
	v9 =	vmul.f32 $3.200000000e+01, v9  }
0x125: {  	v6 =	vld [tilespmem:s0+$0xC210];
	[tilespmem:s2+$0xC220] =	vst v10;
	v8 =	vmul.f32 $3.200000000e+01, v8  }
0x126: {  	v10 =	vld [tilespmem:s0+$0xC220];
	[tilespmem:s2+$0xC230] =	vst v9;
	v7 =	vmul.f32 $3.200000000e+01, v7  }
0x127: {  	v57 =	vld [tilespmem:s0+$0xC230];
	[tilespmem:s2+$0xC240] =	vst v8;
	v5 =	vmul.f32 $3.200000000e+01, v5  }
0x128: {  	v58 =	vld [tilespmem:s0+$0xC240];
	v3 =	vmul.f32 $3.200000000e+01, v3;
	[tilespmem:s2+$0xC250] =	vst v7  }
0x129: {  	v59 =	vld [tilespmem:s0+$0xC250];
	v4 =	vmul.f32 $3.200000000e+01, v4;
	[tilespmem:s2+$0xC260] =	vst v5  }
0x12a: {  	v61 =	vld [tilespmem:s0+$0xC260];
	v60 =	vmul.f32 $3.200000000e+01, v6;
	[tilespmem:s0+$0xC270] =	vst v3  }
0x12b: {  	[tilespmem:s0+$0xC200] =	vst v4;
	v3 =	vmul.f32 $3.200000000e+01, v10  }
0x12c: {  	s12 =	sadd.s32 $0x1, s12;
	v62 =	vmul.f32 $3.200000000e+01, v57;
	[tilespmem:s0+$0xC210] =	vst v60  }
0x12d: {  	p0 =	sne.s32 s12, $0x8;
	[tilespmem:s0+$0xC220] =	vst v3;
	v3 =	vmul.f32 $3.200000000e+01, v58  }
.Ltmp4:
0x12e: {  	v63 =	vmul.f32 $3.200000000e+01, v59;
	[tilespmem:s0+$0xC230] =	vst v62;
	(pc) =	sbr.rel @p0 .LBB2_2-.Ltmp4, $4  }
0x12f: {  	[tilespmem:s0+$0xC240] =	vst v3;
	v3 =	vmul.f32 $3.200000000e+01, v61  }
0x130: {  	s30 =	sshll.u32 s30, $0xB;
	[tilespmem:s0+$0xC250] =	vst v63  }
0x131: {  	s31 =	sadd.s32 s30, s8;
	[tilespmem:s0+$0xC260] =	vst v3  }
0x132: {  	[hbm4b:s31+s3] =	stream.linear.scatter [tilespmem:s16], [sflag:$0x8], $0x4000, $0x38;
	[tilespmem:$0x10200] =	vst v63  }
0x133: {  	s0 =	simm.s32 $0x7  }
0x134: {  	_ =	swait.ge [sflag:s0], $0x4000  }
0x135: {  	[sflag:s0] =	ssyncset.done $0x0  }
0x136: {  	s2 =	simm.s32 $0x8;
	[sflag:s0] =	ssyncadd.s32 $0xFFFFC000  }
0x137: {  	_ =	swait.ge [sflag:s2], $0x4000  }
0x138: {  	s10 =	rddreg [dreg:$0x6]  }
0x139: {  	s31 =	rddreg [dreg:$0x5];
	s10 =	sadd.s32 $0x1, s10  }
0x13a: {  	p0 =	sne.s32 s10, s31  }
.Ltmp5:
0x13b: {  	_ = 	snop;
	(pc) =	sbr.rel @p0 .LBB2_1-.Ltmp5, $3  }
0x13c: {  	_ =	sdelay $0x1  }
0x13d: {  	[sflag:s2] =	ssyncset.done $0x0  }
0x13e: {  	[sflag:s2] =	ssyncadd.s32 $0xFFFFC000  }
0x13f: {  	_ =	sfence.sel $0x180000  }
0x140: {  	[bflag:$0x0] =	sbarrier.arrive $0xFFFF  }
0x141: {  	_ =	strace $0x90000047  }
0x142: {  	s0 =	stileid.u32;
	[bflag:$0x2] =	sbarrier.arrive $0xFFFF  }
0x143: {  	p0 =	sne.s32 s0, $0x0;
	s0 =	rddreg [dreg:$0x3]  }
0x144: {  	s0 =	sadd.s32 @!p0 $0x100000, s0  }
0x145: {  	[sflag:s0] =	ssyncadd.tile.s32 @!p0 $0x1;
	_ =	shalt  }
.Lfunc_end2:
_tile_overlayer_lowered:
.L_overlay_start_2:
0x146: {  	(tag) =	ssettag $0x2  }
0x147: {  	s0 =	rddreg [dreg:$0x0];
	s2 =	stileid.u32  }
0x148: {  	s1 =	rddreg [dreg:$0x1];
	p0 =	sne.s32 s2, $0x0  }
0x149: {  	s3 =	rddreg [dreg:$0x2];
	[bflag:$0x3] =	sbarrier.arrive $0xFFFF;
	s2 =	simm.s32 @!p0 $0x1C09  }
0x14a: {  	[timem:s3], [sflag:s2] =	dma.local @!p0 [hbm:s0], s1  }
0x14b: {  	s0 =	simm.s32 @!p0 $0x9  }
0x14c: {  	_ =	swait.ge @!p0 [sflag:s0], s1  }
0x14d: {  	s1 =	ssub.s32 @!p0 $0x0, s1;
	[sflag:s0] =	ssyncset.done @!p0 $0x0  }
0x14e: {  	[sflag:s0] =	ssyncadd.s32 @!p0 s1  }
0x14f: {  	[bflag:$0x3] =	sbarrier.arrive $0xFFFF  }
0x150: {  	_ =	shalt  }

</sc_bundles>
